<compile_context>
chip_gen: v7x
topology: tpu7x:2x2x1
jax: 0.10.2.dev20260603
libtpu: 0.0.44.dev20260713+nightly
codegen_flags: <defaults>
</compile_context>

<pallas_src>
import functools

import jax
import jax.numpy as jnp
from jax import lax
from jax.experimental import pallas as pl
from jax.experimental.pallas import tpu as pltpu
from jax.experimental.pallas import tpu_sc as plsc

N = 10000
E = 320000
D = 128
DH = D // 2
NC, NS = 2, 16
NW = NC * NS
CHUNK = 128
NCHT = 80
EPAD = NW * NCHT * CHUNK
NCHS = EPAD // CHUNK // NS
NPAD = 10240
RPT = NPAD // NS

_MESH = plsc.VectorSubcoreMesh(core_axis_name="c", subcore_axis_name="s")



@functools.partial(
    pl.kernel,
    out_type=jax.ShapeDtypeStruct((NC, NPAD), jnp.float32),
    mesh=_MESH,
    scratch_types=[
        pltpu.VMEM((NCHT, CHUNK), jnp.int32),
        pltpu.VMEM((CHUNK,), jnp.float32),
        pltpu.VMEM((RPT,), jnp.float32),
        pltpu.VMEM_SHARED((NPAD,), jnp.float32),
    ],
)
def _deg_kernel(dst_hbm, deg_hbm, dst_v, ones_v, buf_v, deg_sh):
    c = lax.axis_index("c")
    s = lax.axis_index("s")
    w = c * NS + s

    pltpu.sync_copy(dst_hbm.at[pl.ds(w * NCHT, NCHT)], dst_v)

    def fill_ones(i, _):
        ones_v[pl.ds(i * 16, 16)] = jnp.full((16,), 1.0, jnp.float32)
        return 0

    lax.fori_loop(0, CHUNK // 16, fill_ones, 0)

    def fill_zero(i, _):
        buf_v[pl.ds(i * 16, 16)] = jnp.zeros((16,), jnp.float32)
        return 0

    lax.fori_loop(0, RPT // 16, fill_zero, 0)

    pltpu.sync_copy(buf_v, deg_sh.at[pl.ds(s * RPT, RPT)])
    plsc.subcore_barrier()

    def body(j, _):
        pltpu.sync_copy(ones_v, deg_sh.at[dst_v.at[j]], add=True)
        return 0

    lax.fori_loop(0, NCHT, body, 0)
    plsc.subcore_barrier()

    pltpu.sync_copy(deg_sh.at[pl.ds(s * RPT, RPT)], buf_v)
    pltpu.sync_copy(buf_v, deg_hbm.at[c, pl.ds(s * RPT, RPT)])


@functools.partial(
    pl.kernel,
    out_type=jax.ShapeDtypeStruct((NC, NPAD, DH), jnp.float32),
    mesh=_MESH,
    scratch_types=[
        pltpu.VMEM((2, NCHS, CHUNK), jnp.int32),
        pltpu.VMEM((CHUNK, DH), jnp.float32),
        pltpu.VMEM((CHUNK, DH), jnp.float32),
        pltpu.VMEM_SHARED((NPAD, DH), jnp.float32),
        pltpu.SemaphoreType.DMA,
        pltpu.SemaphoreType.DMA,
    ],
    compiler_params=pltpu.CompilerParams(use_tc_tiling_on_sc=False),
)
def _agg_kernel(y2_hbm, srch_hbm, dst_hbm, zeros_hbm, agg_hbm,
                idx_v, rows_a, rows_b, agg_sh, sem_a, sem_b):
    c = lax.axis_index("c")
    s = lax.axis_index("s")

    pltpu.sync_copy(srch_hbm.at[c, pl.ds(s * NCHS, NCHS)], idx_v.at[0])
    pltpu.sync_copy(dst_hbm.at[pl.ds(s * NCHS, NCHS)], idx_v.at[1])
    src_v = idx_v.at[0]
    dst_v = idx_v.at[1]

    pltpu.sync_copy(zeros_hbm, rows_a)

    def zinit(t, _):
        pltpu.sync_copy(rows_a, agg_sh.at[pl.ds(s * RPT + t * CHUNK, CHUNK)])
        return 0

    lax.fori_loop(0, RPT // CHUNK, zinit, 0)
    plsc.subcore_barrier()

    def body(i, _):
        j0 = 2 * i
        j1 = j0 + 1
        ca = pltpu.async_copy(y2_hbm.at[src_v.at[j0]], rows_a, sem_a)
        cb = pltpu.async_copy(y2_hbm.at[src_v.at[j1]], rows_b, sem_b)
        ca.wait()
        pltpu.sync_copy(rows_a, agg_sh.at[dst_v.at[j0]], add=True)
        cb.wait()
        pltpu.sync_copy(rows_b, agg_sh.at[dst_v.at[j1]], add=True)
        return 0

    lax.fori_loop(0, NCHS // 2, body, 0)
    plsc.subcore_barrier()

    def wout(t, _):
        base = s * RPT + t * CHUNK
        pltpu.sync_copy(agg_sh.at[pl.ds(base, CHUNK)], rows_a)
        pltpu.sync_copy(rows_a, agg_hbm.at[c, pl.ds(base, CHUNK)])
        return 0

    lax.fori_loop(0, RPT // CHUNK, wout, 0)



_BLK = 1000


def _tc1_body(deg_ref, x_ref, w_ref, y_ref, dinv_ref):
    d = deg_ref[0] + deg_ref[1] + 1.0
    dinv = lax.rsqrt(d)
    xw = jnp.dot(x_ref[...], w_ref[...], preferred_element_type=jnp.float32)
    y_ref[...] = dinv * xw
    dinv_ref[...] = dinv


def _tc_mid_body(agg_ref, y_ref, dinv_ref, b_ref, w_ref, y2_ref):
    a = jnp.concatenate([agg_ref[0], agg_ref[1]], axis=-1) + y_ref[...]
    h = jnp.maximum(dinv_ref[...] * a + b_ref[...], 0.0)
    y2_ref[...] = dinv_ref[...] * jnp.dot(
        h, w_ref[...], preferred_element_type=jnp.float32)


def _tc_out_body(agg_ref, y_ref, dinv_ref, b_ref, w_ref, b3_ref, out_ref):
    a = jnp.concatenate([agg_ref[0], agg_ref[1]], axis=-1) + y_ref[...]
    h = jnp.maximum(dinv_ref[...] * a + b_ref[...], 0.0)
    out_ref[...] = jnp.dot(
        h, w_ref[...], preferred_element_type=jnp.float32) + b3_ref[...]


def _tc1(deg, x, w1):
    return pl.pallas_call(
        _tc1_body,
        grid=(N // _BLK,),
        in_specs=[
            pl.BlockSpec((NC, _BLK, 1), lambda j: (0, j, 0)),
            pl.BlockSpec((_BLK, D), lambda j: (j, 0)),
            pl.BlockSpec((D, D), lambda j: (0, 0)),
        ],
        out_specs=[
            pl.BlockSpec((_BLK, D), lambda j: (j, 0)),
            pl.BlockSpec((_BLK, 1), lambda j: (j, 0)),
        ],
        out_shape=[
            jax.ShapeDtypeStruct((N, D), jnp.float32),
            jax.ShapeDtypeStruct((N, 1), jnp.float32),
        ],
    )(deg, x, w1)


def _tc_mid(agg, y, dinv, b1, w2):
    return pl.pallas_call(
        _tc_mid_body,
        grid=(N // _BLK,),
        in_specs=[
            pl.BlockSpec((NC, _BLK, DH), lambda j: (0, j, 0)),
            pl.BlockSpec((_BLK, D), lambda j: (j, 0)),
            pl.BlockSpec((_BLK, 1), lambda j: (j, 0)),
            pl.BlockSpec((1, D), lambda j: (0, 0)),
            pl.BlockSpec((D, D), lambda j: (0, 0)),
        ],
        out_specs=pl.BlockSpec((_BLK, D), lambda j: (j, 0)),
        out_shape=jax.ShapeDtypeStruct((N, D), jnp.float32),
    )(agg, y, dinv, b1, w2)


def _tc_out(agg, y, dinv, b2, w3, b3):
    return pl.pallas_call(
        _tc_out_body,
        grid=(N // _BLK,),
        in_specs=[
            pl.BlockSpec((NC, _BLK, DH), lambda j: (0, j, 0)),
            pl.BlockSpec((_BLK, D), lambda j: (j, 0)),
            pl.BlockSpec((_BLK, 1), lambda j: (j, 0)),
            pl.BlockSpec((1, D), lambda j: (0, 0)),
            pl.BlockSpec((D, w3.shape[1]), lambda j: (0, 0)),
            pl.BlockSpec((1, w3.shape[1]), lambda j: (0, 0)),
        ],
        out_specs=pl.BlockSpec((_BLK, w3.shape[1]), lambda j: (j, 0)),
        out_shape=jax.ShapeDtypeStruct((N, w3.shape[1]), jnp.float32),
    )(agg, y, dinv, b2, w3, b3)



@jax.jit
def kernel(x, edge_index, W1, b1, W2, b2, W3, b3):
    pad = EPAD - E
    src_p = jnp.concatenate([edge_index[0], jnp.zeros((pad,), jnp.int32)])
    dst_p = jnp.concatenate([edge_index[1], jnp.full((pad,), N, jnp.int32)])
    srch2d = jnp.stack([2 * src_p, 2 * src_p + 1]).reshape(
        2, EPAD // CHUNK, CHUNK)
    dst2d = dst_p.reshape(EPAD // CHUNK, CHUNK)
    zerosh = jnp.zeros((CHUNK, DH), jnp.float32)

    deg = _deg_kernel(dst2d).reshape(NC, NPAD, 1)

    y1, dinv = _tc1(deg, x, W1)
    agg1 = _agg_kernel(y1.reshape(2 * N, DH), srch2d, dst2d, zerosh)
    y2 = _tc_mid(agg1, y1, dinv, b1.reshape(1, D), W2)
    agg2 = _agg_kernel(y2.reshape(2 * N, DH), srch2d, dst2d, zerosh)
    return _tc_out(agg2, y2, dinv, b2.reshape(1, D), W3,
                   b3.reshape(1, W3.shape[1]))

# --- scband reference (transcript-rebuilt; emitter-appended) ---
"""Pipeline reference for scband-dqn-gnn-52630529245833 (READ-ONLY COPY).

The authoritative reference and input builder live on the scoring server;
editing this copy changes nothing except your own understanding.
"""

import jax, jax.numpy as jnp
import numpy as np

N_NODES = 10000
N_EDGES = 320000
D_FEAT = 128
HIDDEN = 128
N_ACTIONS = 16


def gcn_conv(x, edge_index, W, b):
    # PyG-style GCNConv: add self loops, symmetric normalization D^-1/2 (A+I) D^-1/2 X W + b
    n = x.shape[0]
    loops = jnp.arange(n, dtype=edge_index.dtype)
    src = jnp.concatenate([edge_index[0], loops])
    dst = jnp.concatenate([edge_index[1], loops])
    deg = jnp.zeros((n,), x.dtype).at[dst].add(1.0)
    dinv = jnp.where(deg > 0, jax.lax.rsqrt(jnp.maximum(deg, 1e-12)), 0.0)
    norm = dinv[src] * dinv[dst]
    xw = x @ W
    msg = jnp.take(xw, src, axis=0) * norm[:, None]
    agg = jnp.zeros((n, W.shape[1]), x.dtype).at[dst].add(msg)
    return agg + b


def setup_inputs(seed: int = 0) -> dict:
    key = jax.random.key(seed)
    ks = jax.random.split(key, 8)
    x = jax.random.normal(ks[0], (N_NODES, D_FEAT), dtype=jnp.float32)
    edge_index = jax.random.randint(ks[1], (2, N_EDGES), 0, N_NODES, dtype=jnp.int32)
    W1 = jax.random.normal(ks[2], (D_FEAT, HIDDEN), dtype=jnp.float32) * 0.05
    b1 = jnp.zeros((HIDDEN,), dtype=jnp.float32)
    W2 = jax.random.normal(ks[3], (HIDDEN, HIDDEN), dtype=jnp.float32) * 0.05
    b2 = jnp.zeros((HIDDEN,), dtype=jnp.float32)
    W3 = jax.random.normal(ks[4], (HIDDEN, N_ACTIONS), dtype=jnp.float32) * 0.05
    b3 = jnp.zeros((N_ACTIONS,), dtype=jnp.float32)
    return {"x": x, "edge_index": edge_index, "W1": W1, "b1": b1, "W2": W2, "b2": b2, "W3": W3, "b3": b3}


def reference(x, edge_index, W1, b1, W2, b2, W3, b3):
    h = jax.nn.relu(gcn_conv(x, edge_index, W1, b1))
    h = jax.nn.relu(gcn_conv(h, edge_index, W2, b2))
    return h @ W3 + b3

if __name__ == "__main__":
    import jax
    _d = setup_inputs()
    print(jax.jit(kernel)(*tuple(_d.values())))

</pallas_src>

<mosaic_0001>
#map = affine_map<(d0, d1) -> (0, 0)>
#map1 = affine_map<(d0, d1) -> (0, 0, 0)>
module attributes {stable_mosaic.version = 14 : i64} {
  func.func @_agg_kernel(%arg0: i32, %arg1: i32, %arg2: memref<20000x64xf32, #tpu.memory_space<hbm>>, %arg3: memref<2x2560x128xi32, #tpu.memory_space<hbm>>, %arg4: memref<2560x128xi32, #tpu.memory_space<hbm>>, %arg5: memref<128x64xf32, #tpu.memory_space<hbm>>, %arg6: memref<2x10240x64xf32, #tpu.memory_space<hbm>>, %arg7: memref<2x160x128xi32, #tpu.memory_space<vmem>>, %arg8: memref<128x64xf32, #tpu.memory_space<vmem>>, %arg9: memref<128x64xf32, #tpu.memory_space<vmem>>, %arg10: memref<10240x64xf32, #tpu.memory_space<vmem_shared>>, %arg11: memref<!tpu.dma_semaphore, #tpu.memory_space<semaphore_mem>>, %arg12: memref<!tpu.dma_semaphore, #tpu.memory_space<semaphore_mem>>) attributes {dimension_semantics = [#tpu.dimension_semantics<core_parallel>, #tpu.dimension_semantics<subcore_parallel>], iteration_bounds = array<i64: 2, 16>, scalar_prefetch = 0 : i64, scratch_operands = 6 : i64, tpu.core_type = #tpu.core_type<sc_vector_subcore>, window_params = [{transform_indices = #map}, {transform_indices = #map1}, {transform_indices = #map}, {transform_indices = #map}, {transform_indices = #map1}]} {
    %mul3A = arith.constant 160 : i32
    %mul3A_0 = arith.muli %arg1, %mul3A : i32
    %run_scoped3A = arith.constant 0 : i32
    "tpu.region"() ({
      %run_scoped3A_27 = tpu.sem_alloc : memref<!tpu.dma_semaphore, #tpu.memory_space<semaphore_mem>>
      %dma_start3A = arith.constant 0 : i32
      %dma_start3A_28 = arith.constant 0 : i32
      %dma_start3A_29 = tpu.memref_slice %arg7[%run_scoped3A, %dma_start3A, %dma_start3A_28] : memref<2x160x128xi32, #tpu.memory_space<vmem>> -> memref<1x160x128xi32, #tpu.memory_space<vmem>>
      %dma_start3A_30 = tpu.memref_squeeze %dma_start3A_29 : memref<1x160x128xi32, #tpu.memory_space<vmem>> -> memref<160x128xi32, #tpu.memory_space<vmem>>
      %dma_start3A_31 = arith.constant 0 : i32
      %dma_start3A_32 = tpu.memref_slice %arg3[%arg0, %mul3A_0, %dma_start3A_31] : memref<2x2560x128xi32, #tpu.memory_space<hbm>> -> memref<1x160x128xi32, #tpu.memory_space<hbm>>
      %dma_start3A_33 = tpu.memref_squeeze %dma_start3A_32 : memref<1x160x128xi32, #tpu.memory_space<hbm>> -> memref<160x128xi32, #tpu.memory_space<hbm>>
      %dma_start3A_34 = arith.constant 0 : i32
      %dma_start3A_35 = arith.constant 0 : i32
      %dma_start3A_36 = tpu.memref_slice %arg7[%run_scoped3A, %dma_start3A_34, %dma_start3A_35] : memref<2x160x128xi32, #tpu.memory_space<vmem>> -> memref<1x160x128xi32, #tpu.memory_space<vmem>>
      %dma_start3A_37 = tpu.memref_squeeze %dma_start3A_36 : memref<1x160x128xi32, #tpu.memory_space<vmem>> -> memref<160x128xi32, #tpu.memory_space<vmem>>
      %dma_start3A_38 = arith.constant 0 : i32
      %dma_start3A_39 = tpu.memref_slice %arg3[%arg0, %mul3A_0, %dma_start3A_38] : memref<2x2560x128xi32, #tpu.memory_space<hbm>> -> memref<1x160x128xi32, #tpu.memory_space<hbm>>
      %dma_start3A_40 = tpu.memref_squeeze %dma_start3A_39 : memref<1x160x128xi32, #tpu.memory_space<hbm>> -> memref<160x128xi32, #tpu.memory_space<hbm>>
      tpu.enqueue_dma source(%dma_start3A_40 : memref<160x128xi32, #tpu.memory_space<hbm>>) target(%dma_start3A_37 : memref<160x128xi32, #tpu.memory_space<vmem>>) target_semaphore(%run_scoped3A_27 : memref<!tpu.dma_semaphore, #tpu.memory_space<semaphore_mem>>)
      %dma_wait3A = arith.constant 0 : i32
      %dma_wait3A_41 = arith.constant 0 : i32
      %dma_wait3A_42 = tpu.memref_slice %arg7[%run_scoped3A, %dma_wait3A, %dma_wait3A_41] : memref<2x160x128xi32, #tpu.memory_space<vmem>> -> memref<1x160x128xi32, #tpu.memory_space<vmem>>
      %dma_wait3A_43 = tpu.memref_squeeze %dma_wait3A_42 : memref<1x160x128xi32, #tpu.memory_space<vmem>> -> memref<160x128xi32, #tpu.memory_space<vmem>>
      %dma_wait3A_44 = arith.constant 0 : i32
      %dma_wait3A_45 = tpu.memref_slice %arg3[%arg0, %mul3A_0, %dma_wait3A_44] : memref<2x2560x128xi32, #tpu.memory_space<hbm>> -> memref<1x160x128xi32, #tpu.memory_space<hbm>>
      %dma_wait3A_46 = tpu.memref_squeeze %dma_wait3A_45 : memref<1x160x128xi32, #tpu.memory_space<hbm>> -> memref<160x128xi32, #tpu.memory_space<hbm>>
      %dma_wait3A_47 = arith.constant 0 : i32
      %dma_wait3A_48 = arith.constant 0 : i32
      %dma_wait3A_49 = tpu.memref_slice %arg7[%run_scoped3A, %dma_wait3A_47, %dma_wait3A_48] : memref<2x160x128xi32, #tpu.memory_space<vmem>> -> memref<1x160x128xi32, #tpu.memory_space<vmem>>
      %dma_wait3A_50 = tpu.memref_squeeze %dma_wait3A_49 : memref<1x160x128xi32, #tpu.memory_space<vmem>> -> memref<160x128xi32, #tpu.memory_space<vmem>>
      %dma_wait3A_51 = arith.constant 0 : i32
      %dma_wait3A_52 = tpu.memref_slice %arg3[%arg0, %mul3A_0, %dma_wait3A_51] : memref<2x2560x128xi32, #tpu.memory_space<hbm>> -> memref<1x160x128xi32, #tpu.memory_space<hbm>>
      %dma_wait3A_53 = tpu.memref_squeeze %dma_wait3A_52 : memref<1x160x128xi32, #tpu.memory_space<hbm>> -> memref<160x128xi32, #tpu.memory_space<hbm>>
      tpu.wait_dma2 semaphore(%run_scoped3A_27 : memref<!tpu.dma_semaphore, #tpu.memory_space<semaphore_mem>>) src(%dma_wait3A_53 : memref<160x128xi32, #tpu.memory_space<hbm>>) dst(%dma_wait3A_50 : memref<160x128xi32, #tpu.memory_space<vmem>>)
      tpu.yield
    }) : () -> ()
    %mul3A_1 = arith.constant 160 : i32
    %mul3A_2 = arith.muli %arg1, %mul3A_1 : i32
    %run_scoped3A_3 = arith.constant 1 : i32
    "tpu.region"() ({
      %run_scoped3A_27 = tpu.sem_alloc : memref<!tpu.dma_semaphore, #tpu.memory_space<semaphore_mem>>
      %dma_start3A = arith.constant 0 : i32
      %dma_start3A_28 = arith.constant 0 : i32
      %dma_start3A_29 = tpu.memref_slice %arg7[%run_scoped3A_3, %dma_start3A, %dma_start3A_28] : memref<2x160x128xi32, #tpu.memory_space<vmem>> -> memref<1x160x128xi32, #tpu.memory_space<vmem>>
      %dma_start3A_30 = tpu.memref_squeeze %dma_start3A_29 : memref<1x160x128xi32, #tpu.memory_space<vmem>> -> memref<160x128xi32, #tpu.memory_space<vmem>>
      %dma_start3A_31 = arith.constant 0 : i32
      %dma_start3A_32 = tpu.memref_slice %arg4[%mul3A_2, %dma_start3A_31] : memref<2560x128xi32, #tpu.memory_space<hbm>> -> memref<160x128xi32, #tpu.memory_space<hbm>>
      %dma_start3A_33 = arith.constant 0 : i32
      %dma_start3A_34 = arith.constant 0 : i32
      %dma_start3A_35 = tpu.memref_slice %arg7[%run_scoped3A_3, %dma_start3A_33, %dma_start3A_34] : memref<2x160x128xi32, #tpu.memory_space<vmem>> -> memref<1x160x128xi32, #tpu.memory_space<vmem>>
      %dma_start3A_36 = tpu.memref_squeeze %dma_start3A_35 : memref<1x160x128xi32, #tpu.memory_space<vmem>> -> memref<160x128xi32, #tpu.memory_space<vmem>>
      %dma_start3A_37 = arith.constant 0 : i32
      %dma_start3A_38 = tpu.memref_slice %arg4[%mul3A_2, %dma_start3A_37] : memref<2560x128xi32, #tpu.memory_space<hbm>> -> memref<160x128xi32, #tpu.memory_space<hbm>>
      tpu.enqueue_dma source(%dma_start3A_38 : memref<160x128xi32, #tpu.memory_space<hbm>>) target(%dma_start3A_36 : memref<160x128xi32, #tpu.memory_space<vmem>>) target_semaphore(%run_scoped3A_27 : memref<!tpu.dma_semaphore, #tpu.memory_space<semaphore_mem>>)
      %dma_wait3A = arith.constant 0 : i32
      %dma_wait3A_39 = arith.constant 0 : i32
      %dma_wait3A_40 = tpu.memref_slice %arg7[%run_scoped3A_3, %dma_wait3A, %dma_wait3A_39] : memref<2x160x128xi32, #tpu.memory_space<vmem>> -> memref<1x160x128xi32, #tpu.memory_space<vmem>>
      %dma_wait3A_41 = tpu.memref_squeeze %dma_wait3A_40 : memref<1x160x128xi32, #tpu.memory_space<vmem>> -> memref<160x128xi32, #tpu.memory_space<vmem>>
      %dma_wait3A_42 = arith.constant 0 : i32
      %dma_wait3A_43 = tpu.memref_slice %arg4[%mul3A_2, %dma_wait3A_42] : memref<2560x128xi32, #tpu.memory_space<hbm>> -> memref<160x128xi32, #tpu.memory_space<hbm>>
      %dma_wait3A_44 = arith.constant 0 : i32
      %dma_wait3A_45 = arith.constant 0 : i32
      %dma_wait3A_46 = tpu.memref_slice %arg7[%run_scoped3A_3, %dma_wait3A_44, %dma_wait3A_45] : memref<2x160x128xi32, #tpu.memory_space<vmem>> -> memref<1x160x128xi32, #tpu.memory_space<vmem>>
      %dma_wait3A_47 = tpu.memref_squeeze %dma_wait3A_46 : memref<1x160x128xi32, #tpu.memory_space<vmem>> -> memref<160x128xi32, #tpu.memory_space<vmem>>
      %dma_wait3A_48 = arith.constant 0 : i32
      %dma_wait3A_49 = tpu.memref_slice %arg4[%mul3A_2, %dma_wait3A_48] : memref<2560x128xi32, #tpu.memory_space<hbm>> -> memref<160x128xi32, #tpu.memory_space<hbm>>
      tpu.wait_dma2 semaphore(%run_scoped3A_27 : memref<!tpu.dma_semaphore, #tpu.memory_space<semaphore_mem>>) src(%dma_wait3A_49 : memref<160x128xi32, #tpu.memory_space<hbm>>) dst(%dma_wait3A_47 : memref<160x128xi32, #tpu.memory_space<vmem>>)
      tpu.yield
    }) : () -> ()
    "tpu.region"() ({
      %run_scoped3A_27 = tpu.sem_alloc : memref<!tpu.dma_semaphore, #tpu.memory_space<semaphore_mem>>
      tpu.enqueue_dma source(%arg5 : memref<128x64xf32, #tpu.memory_space<hbm>>) target(%arg8 : memref<128x64xf32, #tpu.memory_space<vmem>>) target_semaphore(%run_scoped3A_27 : memref<!tpu.dma_semaphore, #tpu.memory_space<semaphore_mem>>)
      tpu.wait_dma2 semaphore(%run_scoped3A_27 : memref<!tpu.dma_semaphore, #tpu.memory_space<semaphore_mem>>) src(%arg5 : memref<128x64xf32, #tpu.memory_space<hbm>>) dst(%arg8 : memref<128x64xf32, #tpu.memory_space<vmem>>)
      tpu.yield
    }) : () -> ()
    %scan3A = arith.constant 0 : i32
    %scan3A_4 = arith.constant 0 : i32
    %scan3A_5 = arith.constant 5 : i32
    %scan3A_6 = arith.addi %scan3A_4, %scan3A_5 : i32
    %scan3A_7 = arith.constant 1 : i32
    %scan3A_8 = scf.for %scan3A_27 = %scan3A_4 to %scan3A_6 step %scan3A_7 iter_args(%scan3A_28 = %scan3A) -> (i32)  : i32 {
      %mul3A_29 = arith.constant 640 : i32
      %mul3A_30 = arith.muli %arg1, %mul3A_29 : i32
      %mul3A_31 = arith.constant 128 : i32
      %mul3A_32 = arith.muli %scan3A_27, %mul3A_31 : i32
      %add3A = arith.addi %mul3A_30, %mul3A_32 : i32
      "tpu.region"() ({
        %run_scoped3A_34 = tpu.sem_alloc : memref<!tpu.dma_semaphore, #tpu.memory_space<semaphore_mem>>
        %dma_start3A = arith.constant 0 : i32
        %dma_start3A_35 = tpu.memref_slice %arg10[%add3A, %dma_start3A] : memref<10240x64xf32, #tpu.memory_space<vmem_shared>> -> memref<128x64xf32, #tpu.memory_space<vmem_shared>>
        %dma_start3A_36 = arith.constant 0 : i32
        %dma_start3A_37 = tpu.memref_slice %arg10[%add3A, %dma_start3A_36] : memref<10240x64xf32, #tpu.memory_space<vmem_shared>> -> memref<128x64xf32, #tpu.memory_space<vmem_shared>>
        tpu.enqueue_dma source(%arg8 : memref<128x64xf32, #tpu.memory_space<vmem>>) target(%dma_start3A_37 : memref<128x64xf32, #tpu.memory_space<vmem_shared>>) target_semaphore(%run_scoped3A_34 : memref<!tpu.dma_semaphore, #tpu.memory_space<semaphore_mem>>)
        %dma_wait3A = arith.constant 0 : i32
        %dma_wait3A_38 = tpu.memref_slice %arg10[%add3A, %dma_wait3A] : memref<10240x64xf32, #tpu.memory_space<vmem_shared>> -> memref<128x64xf32, #tpu.memory_space<vmem_shared>>
        %dma_wait3A_39 = arith.constant 0 : i32
        %dma_wait3A_40 = tpu.memref_slice %arg10[%add3A, %dma_wait3A_39] : memref<10240x64xf32, #tpu.memory_space<vmem_shared>> -> memref<128x64xf32, #tpu.memory_space<vmem_shared>>
        tpu.wait_dma2 semaphore(%run_scoped3A_34 : memref<!tpu.dma_semaphore, #tpu.memory_space<semaphore_mem>>) src(%arg8 : memref<128x64xf32, #tpu.memory_space<vmem>>) dst(%dma_wait3A_40 : memref<128x64xf32, #tpu.memory_space<vmem_shared>>)
        tpu.yield
      }) : () -> ()
      %scan3A_33 = arith.constant 0 : i32
      scf.yield %scan3A_33 : i32
    }
    %scan3A_9 = arith.constant 5 : i32
    %barrier3A = arith.constant 0 : index
    tpu.barrier barrier_id(%barrier3A)
    %scan3A_10 = arith.constant 0 : i32
    %scan3A_11 = arith.constant 1 : i32
    %scan3A_12 = arith.constant 0 : i32
    %scan3A_13 = arith.constant 0 : i32
    %scan3A_14 = arith.constant 80 : i32
    %scan3A_15 = arith.addi %scan3A_13, %scan3A_14 : i32
    %scan3A_16 = arith.constant 1 : i32
    %scan3A_17 = scf.for %scan3A_27 = %scan3A_13 to %scan3A_15 step %scan3A_16 iter_args(%scan3A_28 = %scan3A_12) -> (i32)  : i32 {
      %mul3A_29 = arith.constant 2 : i32
      %mul3A_30 = arith.muli %mul3A_29, %scan3A_27 : i32
      %add3A = arith.constant 1 : i32
      %add3A_31 = arith.addi %mul3A_30, %add3A : i32
      %dma_start3A = arith.constant 0 : i32
      %dma_start3A_32 = arith.constant 0 : i32
      %dma_start3A_33 = tpu.memref_slice %arg7[%scan3A_10, %dma_start3A, %dma_start3A_32] : memref<2x160x128xi32, #tpu.memory_space<vmem>> -> memref<1x160x128xi32, #tpu.memory_space<vmem>>
      %dma_start3A_34 = tpu.memref_squeeze %dma_start3A_33 : memref<1x160x128xi32, #tpu.memory_space<vmem>> -> memref<160x128xi32, #tpu.memory_space<vmem>>
      %dma_start3A_35 = arith.constant 0 : i32
      %dma_start3A_36 = tpu.memref_slice %dma_start3A_34[%mul3A_30, %dma_start3A_35] : memref<160x128xi32, #tpu.memory_space<vmem>> -> memref<1x128xi32, #tpu.memory_space<vmem>>
      %dma_start3A_37 = tpu.memref_squeeze %dma_start3A_36 : memref<1x128xi32, #tpu.memory_space<vmem>> -> memref<128xi32, #tpu.memory_space<vmem>>
      %dma_start3A_38 = arith.constant 0 : i32
      %dma_start3A_39 = arith.constant 0 : i32
      %dma_start3A_40 = tpu.memref_slice %arg2[%dma_start3A_38, %dma_start3A_39] : memref<20000x64xf32, #tpu.memory_space<hbm>> -> memref<20000x64xf32, #tpu.memory_space<hbm>>
      tpu.enqueue_indirect_dma source(%dma_start3A_40 : memref<20000x64xf32, #tpu.memory_space<hbm>>) target(%arg8 : memref<128x64xf32, #tpu.memory_space<vmem>>) offsets(%dma_start3A_37 : memref<128xi32, #tpu.memory_space<vmem>>) semaphore(%arg11 : memref<!tpu.dma_semaphore, #tpu.memory_space<semaphore_mem>>)
      %dma_start3A_41 = arith.constant 0 : i32
      %dma_start3A_42 = arith.constant 0 : i32
      %dma_start3A_43 = tpu.memref_slice %arg7[%scan3A_10, %dma_start3A_41, %dma_start3A_42] : memref<2x160x128xi32, #tpu.memory_space<vmem>> -> memref<1x160x128xi32, #tpu.memory_space<vmem>>
      %dma_start3A_44 = tpu.memref_squeeze %dma_start3A_43 : memref<1x160x128xi32, #tpu.memory_space<vmem>> -> memref<160x128xi32, #tpu.memory_space<vmem>>
      %dma_start3A_45 = arith.constant 0 : i32
      %dma_start3A_46 = tpu.memref_slice %dma_start3A_44[%add3A_31, %dma_start3A_45] : memref<160x128xi32, #tpu.memory_space<vmem>> -> memref<1x128xi32, #tpu.memory_space<vmem>>
      %dma_start3A_47 = tpu.memref_squeeze %dma_start3A_46 : memref<1x128xi32, #tpu.memory_space<vmem>> -> memref<128xi32, #tpu.memory_space<vmem>>
      %dma_start3A_48 = arith.constant 0 : i32
      %dma_start3A_49 = arith.constant 0 : i32
      %dma_start3A_50 = tpu.memref_slice %arg2[%dma_start3A_48, %dma_start3A_49] : memref<20000x64xf32, #tpu.memory_space<hbm>> -> memref<20000x64xf32, #tpu.memory_space<hbm>>
      tpu.enqueue_indirect_dma source(%dma_start3A_50 : memref<20000x64xf32, #tpu.memory_space<hbm>>) target(%arg9 : memref<128x64xf32, #tpu.memory_space<vmem>>) offsets(%dma_start3A_47 : memref<128xi32, #tpu.memory_space<vmem>>) semaphore(%arg12 : memref<!tpu.dma_semaphore, #tpu.memory_space<semaphore_mem>>)
      %dma_wait3A = arith.constant 0 : i32
      %dma_wait3A_51 = arith.constant 0 : i32
      %dma_wait3A_52 = tpu.memref_slice %arg7[%scan3A_10, %dma_wait3A, %dma_wait3A_51] : memref<2x160x128xi32, #tpu.memory_space<vmem>> -> memref<1x160x128xi32, #tpu.memory_space<vmem>>
      %dma_wait3A_53 = tpu.memref_squeeze %dma_wait3A_52 : memref<1x160x128xi32, #tpu.memory_space<vmem>> -> memref<160x128xi32, #tpu.memory_space<vmem>>
      %dma_wait3A_54 = arith.constant 0 : i32
      %dma_wait3A_55 = tpu.memref_slice %dma_wait3A_53[%mul3A_30, %dma_wait3A_54] : memref<160x128xi32, #tpu.memory_space<vmem>> -> memref<1x128xi32, #tpu.memory_space<vmem>>
      %dma_wait3A_56 = tpu.memref_squeeze %dma_wait3A_55 : memref<1x128xi32, #tpu.memory_space<vmem>> -> memref<128xi32, #tpu.memory_space<vmem>>
      %dma_wait3A_57 = arith.constant 0 : i32
      %dma_wait3A_58 = arith.constant 0 : i32
      %dma_wait3A_59 = tpu.memref_slice %arg2[%dma_wait3A_57, %dma_wait3A_58] : memref<20000x64xf32, #tpu.memory_space<hbm>> -> memref<20000x64xf32, #tpu.memory_space<hbm>>
      tpu.wait_indirect_dma semaphore(%arg11 : memref<!tpu.dma_semaphore, #tpu.memory_space<semaphore_mem>>) src(%dma_wait3A_59 : memref<20000x64xf32, #tpu.memory_space<hbm>>) dst(%arg8 : memref<128x64xf32, #tpu.memory_space<vmem>>)
      "tpu.region"() ({
        %run_scoped3A_71 = tpu.sem_alloc : memref<!tpu.dma_semaphore, #tpu.memory_space<semaphore_mem>>
        %dma_start3A_72 = arith.constant 0 : i32
        %dma_start3A_73 = arith.constant 0 : i32
        %dma_start3A_74 = tpu.memref_slice %arg7[%scan3A_11, %dma_start3A_72, %dma_start3A_73] : memref<2x160x128xi32, #tpu.memory_space<vmem>> -> memref<1x160x128xi32, #tpu.memory_space<vmem>>
        %dma_start3A_75 = tpu.memref_squeeze %dma_start3A_74 : memref<1x160x128xi32, #tpu.memory_space<vmem>> -> memref<160x128xi32, #tpu.memory_space<vmem>>
        %dma_start3A_76 = arith.constant 0 : i32
        %dma_start3A_77 = tpu.memref_slice %dma_start3A_75[%mul3A_30, %dma_start3A_76] : memref<160x128xi32, #tpu.memory_space<vmem>> -> memref<1x128xi32, #tpu.memory_space<vmem>>
        %dma_start3A_78 = tpu.memref_squeeze %dma_start3A_77 : memref<1x128xi32, #tpu.memory_space<vmem>> -> memref<128xi32, #tpu.memory_space<vmem>>
        %dma_start3A_79 = arith.constant 0 : i32
        %dma_start3A_80 = arith.constant 0 : i32
        %dma_start3A_81 = tpu.memref_slice %arg10[%dma_start3A_79, %dma_start3A_80] : memref<10240x64xf32, #tpu.memory_space<vmem_shared>> -> memref<10240x64xf32, #tpu.memory_space<vmem_shared>>
        tpu.enqueue_indirect_dma source(%arg8 : memref<128x64xf32, #tpu.memory_space<vmem>>) target(%dma_start3A_81 : memref<10240x64xf32, #tpu.memory_space<vmem_shared>>) offsets(%dma_start3A_78 : memref<128xi32, #tpu.memory_space<vmem>>) semaphore(%run_scoped3A_71 : memref<!tpu.dma_semaphore, #tpu.memory_space<semaphore_mem>>) {add = true}
        %dma_wait3A_82 = arith.constant 0 : i32
        %dma_wait3A_83 = arith.constant 0 : i32
        %dma_wait3A_84 = tpu.memref_slice %arg7[%scan3A_11, %dma_wait3A_82, %dma_wait3A_83] : memref<2x160x128xi32, #tpu.memory_space<vmem>> -> memref<1x160x128xi32, #tpu.memory_space<vmem>>
        %dma_wait3A_85 = tpu.memref_squeeze %dma_wait3A_84 : memref<1x160x128xi32, #tpu.memory_space<vmem>> -> memref<160x128xi32, #tpu.memory_space<vmem>>
        %dma_wait3A_86 = arith.constant 0 : i32
        %dma_wait3A_87 = tpu.memref_slice %dma_wait3A_85[%mul3A_30, %dma_wait3A_86] : memref<160x128xi32, #tpu.memory_space<vmem>> -> memref<1x128xi32, #tpu.memory_space<vmem>>
        %dma_wait3A_88 = tpu.memref_squeeze %dma_wait3A_87 : memref<1x128xi32, #tpu.memory_space<vmem>> -> memref<128xi32, #tpu.memory_space<vmem>>
        %dma_wait3A_89 = arith.constant 0 : i32
        %dma_wait3A_90 = arith.constant 0 : i32
        %dma_wait3A_91 = tpu.memref_slice %arg10[%dma_wait3A_89, %dma_wait3A_90] : memref<10240x64xf32, #tpu.memory_space<vmem_shared>> -> memref<10240x64xf32, #tpu.memory_space<vmem_shared>>
        tpu.wait_indirect_dma semaphore(%run_scoped3A_71 : memref<!tpu.dma_semaphore, #tpu.memory_space<semaphore_mem>>) src(%arg8 : memref<128x64xf32, #tpu.memory_space<vmem>>) dst(%dma_wait3A_91 : memref<10240x64xf32, #tpu.memory_space<vmem_shared>>)
        tpu.yield
      }) : () -> ()
      %dma_wait3A_60 = arith.constant 0 : i32
      %dma_wait3A_61 = arith.constant 0 : i32
      %dma_wait3A_62 = tpu.memref_slice %arg7[%scan3A_10, %dma_wait3A_60, %dma_wait3A_61] : memref<2x160x128xi32, #tpu.memory_space<vmem>> -> memref<1x160x128xi32, #tpu.memory_space<vmem>>
      %dma_wait3A_63 = tpu.memref_squeeze %dma_wait3A_62 : memref<1x160x128xi32, #tpu.memory_space<vmem>> -> memref<160x128xi32, #tpu.memory_space<vmem>>
      %dma_wait3A_64 = arith.constant 0 : i32
      %dma_wait3A_65 = tpu.memref_slice %dma_wait3A_63[%add3A_31, %dma_wait3A_64] : memref<160x128xi32, #tpu.memory_space<vmem>> -> memref<1x128xi32, #tpu.memory_space<vmem>>
      %dma_wait3A_66 = tpu.memref_squeeze %dma_wait3A_65 : memref<1x128xi32, #tpu.memory_space<vmem>> -> memref<128xi32, #tpu.memory_space<vmem>>
      %dma_wait3A_67 = arith.constant 0 : i32
      %dma_wait3A_68 = arith.constant 0 : i32
      %dma_wait3A_69 = tpu.memref_slice %arg2[%dma_wait3A_67, %dma_wait3A_68] : memref<20000x64xf32, #tpu.memory_space<hbm>> -> memref<20000x64xf32, #tpu.memory_space<hbm>>
      tpu.wait_indirect_dma semaphore(%arg12 : memref<!tpu.dma_semaphore, #tpu.memory_space<semaphore_mem>>) src(%dma_wait3A_69 : memref<20000x64xf32, #tpu.memory_space<hbm>>) dst(%arg9 : memref<128x64xf32, #tpu.memory_space<vmem>>)
      "tpu.region"() ({
        %run_scoped3A_71 = tpu.sem_alloc : memref<!tpu.dma_semaphore, #tpu.memory_space<semaphore_mem>>
        %dma_start3A_72 = arith.constant 0 : i32
        %dma_start3A_73 = arith.constant 0 : i32
        %dma_start3A_74 = tpu.memref_slice %arg7[%scan3A_11, %dma_start3A_72, %dma_start3A_73] : memref<2x160x128xi32, #tpu.memory_space<vmem>> -> memref<1x160x128xi32, #tpu.memory_space<vmem>>
        %dma_start3A_75 = tpu.memref_squeeze %dma_start3A_74 : memref<1x160x128xi32, #tpu.memory_space<vmem>> -> memref<160x128xi32, #tpu.memory_space<vmem>>
        %dma_start3A_76 = arith.constant 0 : i32
        %dma_start3A_77 = tpu.memref_slice %dma_start3A_75[%add3A_31, %dma_start3A_76] : memref<160x128xi32, #tpu.memory_space<vmem>> -> memref<1x128xi32, #tpu.memory_space<vmem>>
        %dma_start3A_78 = tpu.memref_squeeze %dma_start3A_77 : memref<1x128xi32, #tpu.memory_space<vmem>> -> memref<128xi32, #tpu.memory_space<vmem>>
        %dma_start3A_79 = arith.constant 0 : i32
        %dma_start3A_80 = arith.constant 0 : i32
        %dma_start3A_81 = tpu.memref_slice %arg10[%dma_start3A_79, %dma_start3A_80] : memref<10240x64xf32, #tpu.memory_space<vmem_shared>> -> memref<10240x64xf32, #tpu.memory_space<vmem_shared>>
        tpu.enqueue_indirect_dma source(%arg9 : memref<128x64xf32, #tpu.memory_space<vmem>>) target(%dma_start3A_81 : memref<10240x64xf32, #tpu.memory_space<vmem_shared>>) offsets(%dma_start3A_78 : memref<128xi32, #tpu.memory_space<vmem>>) semaphore(%run_scoped3A_71 : memref<!tpu.dma_semaphore, #tpu.memory_space<semaphore_mem>>) {add = true}
        %dma_wait3A_82 = arith.constant 0 : i32
        %dma_wait3A_83 = arith.constant 0 : i32
        %dma_wait3A_84 = tpu.memref_slice %arg7[%scan3A_11, %dma_wait3A_82, %dma_wait3A_83] : memref<2x160x128xi32, #tpu.memory_space<vmem>> -> memref<1x160x128xi32, #tpu.memory_space<vmem>>
        %dma_wait3A_85 = tpu.memref_squeeze %dma_wait3A_84 : memref<1x160x128xi32, #tpu.memory_space<vmem>> -> memref<160x128xi32, #tpu.memory_space<vmem>>
        %dma_wait3A_86 = arith.constant 0 : i32
        %dma_wait3A_87 = tpu.memref_slice %dma_wait3A_85[%add3A_31, %dma_wait3A_86] : memref<160x128xi32, #tpu.memory_space<vmem>> -> memref<1x128xi32, #tpu.memory_space<vmem>>
        %dma_wait3A_88 = tpu.memref_squeeze %dma_wait3A_87 : memref<1x128xi32, #tpu.memory_space<vmem>> -> memref<128xi32, #tpu.memory_space<vmem>>
        %dma_wait3A_89 = arith.constant 0 : i32
        %dma_wait3A_90 = arith.constant 0 : i32
        %dma_wait3A_91 = tpu.memref_slice %arg10[%dma_wait3A_89, %dma_wait3A_90] : memref<10240x64xf32, #tpu.memory_space<vmem_shared>> -> memref<10240x64xf32, #tpu.memory_space<vmem_shared>>
        tpu.wait_indirect_dma semaphore(%run_scoped3A_71 : memref<!tpu.dma_semaphore, #tpu.memory_space<semaphore_mem>>) src(%arg9 : memref<128x64xf32, #tpu.memory_space<vmem>>) dst(%dma_wait3A_91 : memref<10240x64xf32, #tpu.memory_space<vmem_shared>>)
        tpu.yield
      }) : () -> ()
      %scan3A_70 = arith.constant 0 : i32
      scf.yield %scan3A_70 : i32
    }
    %scan3A_18 = arith.constant 80 : i32
    %barrier3A_19 = arith.constant 0 : index
    tpu.barrier barrier_id(%barrier3A_19)
    %scan3A_20 = arith.constant 0 : i32
    %scan3A_21 = arith.constant 0 : i32
    %scan3A_22 = arith.constant 5 : i32
    %scan3A_23 = arith.addi %scan3A_21, %scan3A_22 : i32
    %scan3A_24 = arith.constant 1 : i32
    %scan3A_25 = scf.for %scan3A_27 = %scan3A_21 to %scan3A_23 step %scan3A_24 iter_args(%scan3A_28 = %scan3A_20) -> (i32)  : i32 {
      %mul3A_29 = arith.constant 640 : i32
      %mul3A_30 = arith.muli %arg1, %mul3A_29 : i32
      %mul3A_31 = arith.constant 128 : i32
      %mul3A_32 = arith.muli %scan3A_27, %mul3A_31 : i32
      %add3A = arith.addi %mul3A_30, %mul3A_32 : i32
      "tpu.region"() ({
        %run_scoped3A_34 = tpu.sem_alloc : memref<!tpu.dma_semaphore, #tpu.memory_space<semaphore_mem>>
        %dma_start3A = arith.constant 0 : i32
        %dma_start3A_35 = tpu.memref_slice %arg10[%add3A, %dma_start3A] : memref<10240x64xf32, #tpu.memory_space<vmem_shared>> -> memref<128x64xf32, #tpu.memory_space<vmem_shared>>
        %dma_start3A_36 = arith.constant 0 : i32
        %dma_start3A_37 = tpu.memref_slice %arg10[%add3A, %dma_start3A_36] : memref<10240x64xf32, #tpu.memory_space<vmem_shared>> -> memref<128x64xf32, #tpu.memory_space<vmem_shared>>
        tpu.enqueue_dma source(%dma_start3A_37 : memref<128x64xf32, #tpu.memory_space<vmem_shared>>) target(%arg8 : memref<128x64xf32, #tpu.memory_space<vmem>>) target_semaphore(%run_scoped3A_34 : memref<!tpu.dma_semaphore, #tpu.memory_space<semaphore_mem>>)
        %dma_wait3A = arith.constant 0 : i32
        %dma_wait3A_38 = tpu.memref_slice %arg10[%add3A, %dma_wait3A] : memref<10240x64xf32, #tpu.memory_space<vmem_shared>> -> memref<128x64xf32, #tpu.memory_space<vmem_shared>>
        %dma_wait3A_39 = arith.constant 0 : i32
        %dma_wait3A_40 = tpu.memref_slice %arg10[%add3A, %dma_wait3A_39] : memref<10240x64xf32, #tpu.memory_space<vmem_shared>> -> memref<128x64xf32, #tpu.memory_space<vmem_shared>>
        tpu.wait_dma2 semaphore(%run_scoped3A_34 : memref<!tpu.dma_semaphore, #tpu.memory_space<semaphore_mem>>) src(%dma_wait3A_40 : memref<128x64xf32, #tpu.memory_space<vmem_shared>>) dst(%arg8 : memref<128x64xf32, #tpu.memory_space<vmem>>)
        tpu.yield
      }) : () -> ()
      "tpu.region"() ({
        %run_scoped3A_34 = tpu.sem_alloc : memref<!tpu.dma_semaphore, #tpu.memory_space<semaphore_mem>>
        %dma_start3A = arith.constant 0 : i32
        %dma_start3A_35 = tpu.memref_slice %arg6[%arg0, %add3A, %dma_start3A] : memref<2x10240x64xf32, #tpu.memory_space<hbm>> -> memref<1x128x64xf32, #tpu.memory_space<hbm>>
        %dma_start3A_36 = tpu.memref_squeeze %dma_start3A_35 : memref<1x128x64xf32, #tpu.memory_space<hbm>> -> memref<128x64xf32, #tpu.memory_space<hbm>>
        %dma_start3A_37 = arith.constant 0 : i32
        %dma_start3A_38 = tpu.memref_slice %arg6[%arg0, %add3A, %dma_start3A_37] : memref<2x10240x64xf32, #tpu.memory_space<hbm>> -> memref<1x128x64xf32, #tpu.memory_space<hbm>>
        %dma_start3A_39 = tpu.memref_squeeze %dma_start3A_38 : memref<1x128x64xf32, #tpu.memory_space<hbm>> -> memref<128x64xf32, #tpu.memory_space<hbm>>
        tpu.enqueue_dma source(%arg8 : memref<128x64xf32, #tpu.memory_space<vmem>>) target(%dma_start3A_39 : memref<128x64xf32, #tpu.memory_space<hbm>>) target_semaphore(%run_scoped3A_34 : memref<!tpu.dma_semaphore, #tpu.memory_space<semaphore_mem>>)
        %dma_wait3A = arith.constant 0 : i32
        %dma_wait3A_40 = tpu.memref_slice %arg6[%arg0, %add3A, %dma_wait3A] : memref<2x10240x64xf32, #tpu.memory_space<hbm>> -> memref<1x128x64xf32, #tpu.memory_space<hbm>>
        %dma_wait3A_41 = tpu.memref_squeeze %dma_wait3A_40 : memref<1x128x64xf32, #tpu.memory_space<hbm>> -> memref<128x64xf32, #tpu.memory_space<hbm>>
        %dma_wait3A_42 = arith.constant 0 : i32
        %dma_wait3A_43 = tpu.memref_slice %arg6[%arg0, %add3A, %dma_wait3A_42] : memref<2x10240x64xf32, #tpu.memory_space<hbm>> -> memref<1x128x64xf32, #tpu.memory_space<hbm>>
        %dma_wait3A_44 = tpu.memref_squeeze %dma_wait3A_43 : memref<1x128x64xf32, #tpu.memory_space<hbm>> -> memref<128x64xf32, #tpu.memory_space<hbm>>
        tpu.wait_dma2 semaphore(%run_scoped3A_34 : memref<!tpu.dma_semaphore, #tpu.memory_space<semaphore_mem>>) src(%arg8 : memref<128x64xf32, #tpu.memory_space<vmem>>) dst(%dma_wait3A_44 : memref<128x64xf32, #tpu.memory_space<hbm>>)
        tpu.yield
      }) : () -> ()
      %scan3A_33 = arith.constant 0 : i32
      scf.yield %scan3A_33 : i32
    }
    %scan3A_26 = arith.constant 5 : i32
    return
  }
}

#map = affine_map<(d0, d1) -> (0, 0)>
#map1 = affine_map<(d0, d1) -> (0, 0, 0)>
module attributes {stable_mosaic.version = 14 : i64} {
  func.func @_agg_kernel(%arg0: i32, %arg1: i32, %arg2: memref<20000x64xf32, #tpu.memory_space<hbm>>, %arg3: memref<2x2560x128xi32, #tpu.memory_space<hbm>>, %arg4: memref<2560x128xi32, #tpu.memory_space<hbm>>, %arg5: memref<128x64xf32, #tpu.memory_space<hbm>>, %arg6: memref<2x10240x64xf32, #tpu.memory_space<hbm>>, %arg7: memref<2x160x128xi32, #tpu.memory_space<vmem>>, %arg8: memref<128x64xf32, #tpu.memory_space<vmem>>, %arg9: memref<128x64xf32, #tpu.memory_space<vmem>>, %arg10: memref<10240x64xf32, #tpu.memory_space<vmem_shared>>, %arg11: memref<!tpu.dma_semaphore, #tpu.memory_space<semaphore_mem>>, %arg12: memref<!tpu.dma_semaphore, #tpu.memory_space<semaphore_mem>>) attributes {dimension_semantics = [#tpu.dimension_semantics<core_parallel>, #tpu.dimension_semantics<subcore_parallel>], iteration_bounds = array<i64: 2, 16>, scalar_prefetch = 0 : i64, scratch_operands = 6 : i64, tpu.core_type = #tpu.core_type<sc_vector_subcore>, window_params = [{transform_indices = #map}, {transform_indices = #map1}, {transform_indices = #map}, {transform_indices = #map}, {transform_indices = #map1}]} {
    %mul3A = arith.constant 160 : i32
    %mul3A_0 = arith.muli %arg1, %mul3A : i32
    %run_scoped3A = arith.constant 0 : i32
    "tpu.region"() ({
      %run_scoped3A_27 = tpu.sem_alloc : memref<!tpu.dma_semaphore, #tpu.memory_space<semaphore_mem>>
      %dma_start3A = arith.constant 0 : i32
      %dma_start3A_28 = arith.constant 0 : i32
      %dma_start3A_29 = tpu.memref_slice %arg7[%run_scoped3A, %dma_start3A, %dma_start3A_28] : memref<2x160x128xi32, #tpu.memory_space<vmem>> -> memref<1x160x128xi32, #tpu.memory_space<vmem>>
      %dma_start3A_30 = tpu.memref_squeeze %dma_start3A_29 : memref<1x160x128xi32, #tpu.memory_space<vmem>> -> memref<160x128xi32, #tpu.memory_space<vmem>>
      %dma_start3A_31 = arith.constant 0 : i32
      %dma_start3A_32 = tpu.memref_slice %arg3[%arg0, %mul3A_0, %dma_start3A_31] : memref<2x2560x128xi32, #tpu.memory_space<hbm>> -> memref<1x160x128xi32, #tpu.memory_space<hbm>>
      %dma_start3A_33 = tpu.memref_squeeze %dma_start3A_32 : memref<1x160x128xi32, #tpu.memory_space<hbm>> -> memref<160x128xi32, #tpu.memory_space<hbm>>
      %dma_start3A_34 = arith.constant 0 : i32
      %dma_start3A_35 = arith.constant 0 : i32
      %dma_start3A_36 = tpu.memref_slice %arg7[%run_scoped3A, %dma_start3A_34, %dma_start3A_35] : memref<2x160x128xi32, #tpu.memory_space<vmem>> -> memref<1x160x128xi32, #tpu.memory_space<vmem>>
      %dma_start3A_37 = tpu.memref_squeeze %dma_start3A_36 : memref<1x160x128xi32, #tpu.memory_space<vmem>> -> memref<160x128xi32, #tpu.memory_space<vmem>>
      %dma_start3A_38 = arith.constant 0 : i32
      %dma_start3A_39 = tpu.memref_slice %arg3[%arg0, %mul3A_0, %dma_start3A_38] : memref<2x2560x128xi32, #tpu.memory_space<hbm>> -> memref<1x160x128xi32, #tpu.memory_space<hbm>>
      %dma_start3A_40 = tpu.memref_squeeze %dma_start3A_39 : memref<1x160x128xi32, #tpu.memory_space<hbm>> -> memref<160x128xi32, #tpu.memory_space<hbm>>
      tpu.enqueue_dma source(%dma_start3A_40 : memref<160x128xi32, #tpu.memory_space<hbm>>) target(%dma_start3A_37 : memref<160x128xi32, #tpu.memory_space<vmem>>) target_semaphore(%run_scoped3A_27 : memref<!tpu.dma_semaphore, #tpu.memory_space<semaphore_mem>>)
      %dma_wait3A = arith.constant 0 : i32
      %dma_wait3A_41 = arith.constant 0 : i32
      %dma_wait3A_42 = tpu.memref_slice %arg7[%run_scoped3A, %dma_wait3A, %dma_wait3A_41] : memref<2x160x128xi32, #tpu.memory_space<vmem>> -> memref<1x160x128xi32, #tpu.memory_space<vmem>>
      %dma_wait3A_43 = tpu.memref_squeeze %dma_wait3A_42 : memref<1x160x128xi32, #tpu.memory_space<vmem>> -> memref<160x128xi32, #tpu.memory_space<vmem>>
      %dma_wait3A_44 = arith.constant 0 : i32
      %dma_wait3A_45 = tpu.memref_slice %arg3[%arg0, %mul3A_0, %dma_wait3A_44] : memref<2x2560x128xi32, #tpu.memory_space<hbm>> -> memref<1x160x128xi32, #tpu.memory_space<hbm>>
      %dma_wait3A_46 = tpu.memref_squeeze %dma_wait3A_45 : memref<1x160x128xi32, #tpu.memory_space<hbm>> -> memref<160x128xi32, #tpu.memory_space<hbm>>
      %dma_wait3A_47 = arith.constant 0 : i32
      %dma_wait3A_48 = arith.constant 0 : i32
      %dma_wait3A_49 = tpu.memref_slice %arg7[%run_scoped3A, %dma_wait3A_47, %dma_wait3A_48] : memref<2x160x128xi32, #tpu.memory_space<vmem>> -> memref<1x160x128xi32, #tpu.memory_space<vmem>>
      %dma_wait3A_50 = tpu.memref_squeeze %dma_wait3A_49 : memref<1x160x128xi32, #tpu.memory_space<vmem>> -> memref<160x128xi32, #tpu.memory_space<vmem>>
      %dma_wait3A_51 = arith.constant 0 : i32
      %dma_wait3A_52 = tpu.memref_slice %arg3[%arg0, %mul3A_0, %dma_wait3A_51] : memref<2x2560x128xi32, #tpu.memory_space<hbm>> -> memref<1x160x128xi32, #tpu.memory_space<hbm>>
      %dma_wait3A_53 = tpu.memref_squeeze %dma_wait3A_52 : memref<1x160x128xi32, #tpu.memory_space<hbm>> -> memref<160x128xi32, #tpu.memory_space<hbm>>
      tpu.wait_dma2 semaphore(%run_scoped3A_27 : memref<!tpu.dma_semaphore, #tpu.memory_space<semaphore_mem>>) src(%dma_wait3A_53 : memref<160x128xi32, #tpu.memory_space<hbm>>) dst(%dma_wait3A_50 : memref<160x128xi32, #tpu.memory_space<vmem>>)
      tpu.yield
    }) : () -> ()
    %mul3A_1 = arith.constant 160 : i32
    %mul3A_2 = arith.muli %arg1, %mul3A_1 : i32
    %run_scoped3A_3 = arith.constant 1 : i32
    "tpu.region"() ({
      %run_scoped3A_27 = tpu.sem_alloc : memref<!tpu.dma_semaphore, #tpu.memory_space<semaphore_mem>>
      %dma_start3A = arith.constant 0 : i32
      %dma_start3A_28 = arith.constant 0 : i32
      %dma_start3A_29 = tpu.memref_slice %arg7[%run_scoped3A_3, %dma_start3A, %dma_start3A_28] : memref<2x160x128xi32, #tpu.memory_space<vmem>> -> memref<1x160x128xi32, #tpu.memory_space<vmem>>
      %dma_start3A_30 = tpu.memref_squeeze %dma_start3A_29 : memref<1x160x128xi32, #tpu.memory_space<vmem>> -> memref<160x128xi32, #tpu.memory_space<vmem>>
      %dma_start3A_31 = arith.constant 0 : i32
      %dma_start3A_32 = tpu.memref_slice %arg4[%mul3A_2, %dma_start3A_31] : memref<2560x128xi32, #tpu.memory_space<hbm>> -> memref<160x128xi32, #tpu.memory_space<hbm>>
      %dma_start3A_33 = arith.constant 0 : i32
      %dma_start3A_34 = arith.constant 0 : i32
      %dma_start3A_35 = tpu.memref_slice %arg7[%run_scoped3A_3, %dma_start3A_33, %dma_start3A_34] : memref<2x160x128xi32, #tpu.memory_space<vmem>> -> memref<1x160x128xi32, #tpu.memory_space<vmem>>
      %dma_start3A_36 = tpu.memref_squeeze %dma_start3A_35 : memref<1x160x128xi32, #tpu.memory_space<vmem>> -> memref<160x128xi32, #tpu.memory_space<vmem>>
      %dma_start3A_37 = arith.constant 0 : i32
      %dma_start3A_38 = tpu.memref_slice %arg4[%mul3A_2, %dma_start3A_37] : memref<2560x128xi32, #tpu.memory_space<hbm>> -> memref<160x128xi32, #tpu.memory_space<hbm>>
      tpu.enqueue_dma source(%dma_start3A_38 : memref<160x128xi32, #tpu.memory_space<hbm>>) target(%dma_start3A_36 : memref<160x128xi32, #tpu.memory_space<vmem>>) target_semaphore(%run_scoped3A_27 : memref<!tpu.dma_semaphore, #tpu.memory_space<semaphore_mem>>)
      %dma_wait3A = arith.constant 0 : i32
      %dma_wait3A_39 = arith.constant 0 : i32
      %dma_wait3A_40 = tpu.memref_slice %arg7[%run_scoped3A_3, %dma_wait3A, %dma_wait3A_39] : memref<2x160x128xi32, #tpu.memory_space<vmem>> -> memref<1x160x128xi32, #tpu.memory_space<vmem>>
      %dma_wait3A_41 = tpu.memref_squeeze %dma_wait3A_40 : memref<1x160x128xi32, #tpu.memory_space<vmem>> -> memref<160x128xi32, #tpu.memory_space<vmem>>
      %dma_wait3A_42 = arith.constant 0 : i32
      %dma_wait3A_43 = tpu.memref_slice %arg4[%mul3A_2, %dma_wait3A_42] : memref<2560x128xi32, #tpu.memory_space<hbm>> -> memref<160x128xi32, #tpu.memory_space<hbm>>
      %dma_wait3A_44 = arith.constant 0 : i32
      %dma_wait3A_45 = arith.constant 0 : i32
      %dma_wait3A_46 = tpu.memref_slice %arg7[%run_scoped3A_3, %dma_wait3A_44, %dma_wait3A_45] : memref<2x160x128xi32, #tpu.memory_space<vmem>> -> memref<1x160x128xi32, #tpu.memory_space<vmem>>
      %dma_wait3A_47 = tpu.memref_squeeze %dma_wait3A_46 : memref<1x160x128xi32, #tpu.memory_space<vmem>> -> memref<160x128xi32, #tpu.memory_space<vmem>>
      %dma_wait3A_48 = arith.constant 0 : i32
      %dma_wait3A_49 = tpu.memref_slice %arg4[%mul3A_2, %dma_wait3A_48] : memref<2560x128xi32, #tpu.memory_space<hbm>> -> memref<160x128xi32, #tpu.memory_space<hbm>>
      tpu.wait_dma2 semaphore(%run_scoped3A_27 : memref<!tpu.dma_semaphore, #tpu.memory_space<semaphore_mem>>) src(%dma_wait3A_49 : memref<160x128xi32, #tpu.memory_space<hbm>>) dst(%dma_wait3A_47 : memref<160x128xi32, #tpu.memory_space<vmem>>)
      tpu.yield
    }) : () -> ()
    "tpu.region"() ({
      %run_scoped3A_27 = tpu.sem_alloc : memref<!tpu.dma_semaphore, #tpu.memory_space<semaphore_mem>>
      tpu.enqueue_dma source(%arg5 : memref<128x64xf32, #tpu.memory_space<hbm>>) target(%arg8 : memref<128x64xf32, #tpu.memory_space<vmem>>) target_semaphore(%run_scoped3A_27 : memref<!tpu.dma_semaphore, #tpu.memory_space<semaphore_mem>>)
      tpu.wait_dma2 semaphore(%run_scoped3A_27 : memref<!tpu.dma_semaphore, #tpu.memory_space<semaphore_mem>>) src(%arg5 : memref<128x64xf32, #tpu.memory_space<hbm>>) dst(%arg8 : memref<128x64xf32, #tpu.memory_space<vmem>>)
      tpu.yield
    }) : () -> ()
    %scan3A = arith.constant 0 : i32
    %scan3A_4 = arith.constant 0 : i32
    %scan3A_5 = arith.constant 5 : i32
    %scan3A_6 = arith.addi %scan3A_4, %scan3A_5 : i32
    %scan3A_7 = arith.constant 1 : i32
    %scan3A_8 = scf.for %scan3A_27 = %scan3A_4 to %scan3A_6 step %scan3A_7 iter_args(%scan3A_28 = %scan3A) -> (i32)  : i32 {
      %mul3A_29 = arith.constant 640 : i32
      %mul3A_30 = arith.muli %arg1, %mul3A_29 : i32
      %mul3A_31 = arith.constant 128 : i32
      %mul3A_32 = arith.muli %scan3A_27, %mul3A_31 : i32
      %add3A = arith.addi %mul3A_30, %mul3A_32 : i32
      "tpu.region"() ({
        %run_scoped3A_34 = tpu.sem_alloc : memref<!tpu.dma_semaphore, #tpu.memory_space<semaphore_mem>>
        %dma_start3A = arith.constant 0 : i32
        %dma_start3A_35 = tpu.memref_slice %arg10[%add3A, %dma_start3A] : memref<10240x64xf32, #tpu.memory_space<vmem_shared>> -> memref<128x64xf32, #tpu.memory_space<vmem_shared>>
        %dma_start3A_36 = arith.constant 0 : i32
        %dma_start3A_37 = tpu.memref_slice %arg10[%add3A, %dma_start3A_36] : memref<10240x64xf32, #tpu.memory_space<vmem_shared>> -> memref<128x64xf32, #tpu.memory_space<vmem_shared>>
        tpu.enqueue_dma source(%arg8 : memref<128x64xf32, #tpu.memory_space<vmem>>) target(%dma_start3A_37 : memref<128x64xf32, #tpu.memory_space<vmem_shared>>) target_semaphore(%run_scoped3A_34 : memref<!tpu.dma_semaphore, #tpu.memory_space<semaphore_mem>>)
        %dma_wait3A = arith.constant 0 : i32
        %dma_wait3A_38 = tpu.memref_slice %arg10[%add3A, %dma_wait3A] : memref<10240x64xf32, #tpu.memory_space<vmem_shared>> -> memref<128x64xf32, #tpu.memory_space<vmem_shared>>
        %dma_wait3A_39 = arith.constant 0 : i32
        %dma_wait3A_40 = tpu.memref_slice %arg10[%add3A, %dma_wait3A_39] : memref<10240x64xf32, #tpu.memory_space<vmem_shared>> -> memref<128x64xf32, #tpu.memory_space<vmem_shared>>
        tpu.wait_dma2 semaphore(%run_scoped3A_34 : memref<!tpu.dma_semaphore, #tpu.memory_space<semaphore_mem>>) src(%arg8 : memref<128x64xf32, #tpu.memory_space<vmem>>) dst(%dma_wait3A_40 : memref<128x64xf32, #tpu.memory_space<vmem_shared>>)
        tpu.yield
      }) : () -> ()
      %scan3A_33 = arith.constant 0 : i32
      scf.yield %scan3A_33 : i32
    }
    %scan3A_9 = arith.constant 5 : i32
    %barrier3A = arith.constant 0 : index
    tpu.barrier barrier_id(%barrier3A)
    %scan3A_10 = arith.constant 0 : i32
    %scan3A_11 = arith.constant 1 : i32
    %scan3A_12 = arith.constant 0 : i32
    %scan3A_13 = arith.constant 0 : i32
    %scan3A_14 = arith.constant 80 : i32
    %scan3A_15 = arith.addi %scan3A_13, %scan3A_14 : i32
    %scan3A_16 = arith.constant 1 : i32
    %scan3A_17 = scf.for %scan3A_27 = %scan3A_13 to %scan3A_15 step %scan3A_16 iter_args(%scan3A_28 = %scan3A_12) -> (i32)  : i32 {
      %mul3A_29 = arith.constant 2 : i32
      %mul3A_30 = arith.muli %mul3A_29, %scan3A_27 : i32
      %add3A = arith.constant 1 : i32
      %add3A_31 = arith.addi %mul3A_30, %add3A : i32
      %dma_start3A = arith.constant 0 : i32
      %dma_start3A_32 = arith.constant 0 : i32
      %dma_start3A_33 = tpu.memref_slice %arg7[%scan3A_10, %dma_start3A, %dma_start3A_32] : memref<2x160x128xi32, #tpu.memory_space<vmem>> -> memref<1x160x128xi32, #tpu.memory_space<vmem>>
      %dma_start3A_34 = tpu.memref_squeeze %dma_start3A_33 : memref<1x160x128xi32, #tpu.memory_space<vmem>> -> memref<160x128xi32, #tpu.memory_space<vmem>>
      %dma_start3A_35 = arith.constant 0 : i32
      %dma_start3A_36 = tpu.memref_slice %dma_start3A_34[%mul3A_30, %dma_start3A_35] : memref<160x128xi32, #tpu.memory_space<vmem>> -> memref<1x128xi32, #tpu.memory_space<vmem>>
      %dma_start3A_37 = tpu.memref_squeeze %dma_start3A_36 : memref<1x128xi32, #tpu.memory_space<vmem>> -> memref<128xi32, #tpu.memory_space<vmem>>
      %dma_start3A_38 = arith.constant 0 : i32
      %dma_start3A_39 = arith.constant 0 : i32
      %dma_start3A_40 = tpu.memref_slice %arg2[%dma_start3A_38, %dma_start3A_39] : memref<20000x64xf32, #tpu.memory_space<hbm>> -> memref<20000x64xf32, #tpu.memory_space<hbm>>
      tpu.enqueue_indirect_dma source(%dma_start3A_40 : memref<20000x64xf32, #tpu.memory_space<hbm>>) target(%arg8 : memref<128x64xf32, #tpu.memory_space<vmem>>) offsets(%dma_start3A_37 : memref<128xi32, #tpu.memory_space<vmem>>) semaphore(%arg11 : memref<!tpu.dma_semaphore, #tpu.memory_space<semaphore_mem>>)
      %dma_start3A_41 = arith.constant 0 : i32
      %dma_start3A_42 = arith.constant 0 : i32
      %dma_start3A_43 = tpu.memref_slice %arg7[%scan3A_10, %dma_start3A_41, %dma_start3A_42] : memref<2x160x128xi32, #tpu.memory_space<vmem>> -> memref<1x160x128xi32, #tpu.memory_space<vmem>>
      %dma_start3A_44 = tpu.memref_squeeze %dma_start3A_43 : memref<1x160x128xi32, #tpu.memory_space<vmem>> -> memref<160x128xi32, #tpu.memory_space<vmem>>
      %dma_start3A_45 = arith.constant 0 : i32
      %dma_start3A_46 = tpu.memref_slice %dma_start3A_44[%add3A_31, %dma_start3A_45] : memref<160x128xi32, #tpu.memory_space<vmem>> -> memref<1x128xi32, #tpu.memory_space<vmem>>
      %dma_start3A_47 = tpu.memref_squeeze %dma_start3A_46 : memref<1x128xi32, #tpu.memory_space<vmem>> -> memref<128xi32, #tpu.memory_space<vmem>>
      %dma_start3A_48 = arith.constant 0 : i32
      %dma_start3A_49 = arith.constant 0 : i32
      %dma_start3A_50 = tpu.memref_slice %arg2[%dma_start3A_48, %dma_start3A_49] : memref<20000x64xf32, #tpu.memory_space<hbm>> -> memref<20000x64xf32, #tpu.memory_space<hbm>>
      tpu.enqueue_indirect_dma source(%dma_start3A_50 : memref<20000x64xf32, #tpu.memory_space<hbm>>) target(%arg9 : memref<128x64xf32, #tpu.memory_space<vmem>>) offsets(%dma_start3A_47 : memref<128xi32, #tpu.memory_space<vmem>>) semaphore(%arg12 : memref<!tpu.dma_semaphore, #tpu.memory_space<semaphore_mem>>)
      %dma_wait3A = arith.constant 0 : i32
      %dma_wait3A_51 = arith.constant 0 : i32
      %dma_wait3A_52 = tpu.memref_slice %arg7[%scan3A_10, %dma_wait3A, %dma_wait3A_51] : memref<2x160x128xi32, #tpu.memory_space<vmem>> -> memref<1x160x128xi32, #tpu.memory_space<vmem>>
      %dma_wait3A_53 = tpu.memref_squeeze %dma_wait3A_52 : memref<1x160x128xi32, #tpu.memory_space<vmem>> -> memref<160x128xi32, #tpu.memory_space<vmem>>
      %dma_wait3A_54 = arith.constant 0 : i32
      %dma_wait3A_55 = tpu.memref_slice %dma_wait3A_53[%mul3A_30, %dma_wait3A_54] : memref<160x128xi32, #tpu.memory_space<vmem>> -> memref<1x128xi32, #tpu.memory_space<vmem>>
      %dma_wait3A_56 = tpu.memref_squeeze %dma_wait3A_55 : memref<1x128xi32, #tpu.memory_space<vmem>> -> memref<128xi32, #tpu.memory_space<vmem>>
      %dma_wait3A_57 = arith.constant 0 : i32
      %dma_wait3A_58 = arith.constant 0 : i32
      %dma_wait3A_59 = tpu.memref_slice %arg2[%dma_wait3A_57, %dma_wait3A_58] : memref<20000x64xf32, #tpu.memory_space<hbm>> -> memref<20000x64xf32, #tpu.memory_space<hbm>>
      tpu.wait_indirect_dma semaphore(%arg11 : memref<!tpu.dma_semaphore, #tpu.memory_space<semaphore_mem>>) src(%dma_wait3A_59 : memref<20000x64xf32, #tpu.memory_space<hbm>>) dst(%arg8 : memref<128x64xf32, #tpu.memory_space<vmem>>)
      "tpu.region"() ({
        %run_scoped3A_71 = tpu.sem_alloc : memref<!tpu.dma_semaphore, #tpu.memory_space<semaphore_mem>>
        %dma_start3A_72 = arith.constant 0 : i32
        %dma_start3A_73 = arith.constant 0 : i32
        %dma_start3A_74 = tpu.memref_slice %arg7[%scan3A_11, %dma_start3A_72, %dma_start3A_73] : memref<2x160x128xi32, #tpu.memory_space<vmem>> -> memref<1x160x128xi32, #tpu.memory_space<vmem>>
        %dma_start3A_75 = tpu.memref_squeeze %dma_start3A_74 : memref<1x160x128xi32, #tpu.memory_space<vmem>> -> memref<160x128xi32, #tpu.memory_space<vmem>>
        %dma_start3A_76 = arith.constant 0 : i32
        %dma_start3A_77 = tpu.memref_slice %dma_start3A_75[%mul3A_30, %dma_start3A_76] : memref<160x128xi32, #tpu.memory_space<vmem>> -> memref<1x128xi32, #tpu.memory_space<vmem>>
        %dma_start3A_78 = tpu.memref_squeeze %dma_start3A_77 : memref<1x128xi32, #tpu.memory_space<vmem>> -> memref<128xi32, #tpu.memory_space<vmem>>
        %dma_start3A_79 = arith.constant 0 : i32
        %dma_start3A_80 = arith.constant 0 : i32
        %dma_start3A_81 = tpu.memref_slice %arg10[%dma_start3A_79, %dma_start3A_80] : memref<10240x64xf32, #tpu.memory_space<vmem_shared>> -> memref<10240x64xf32, #tpu.memory_space<vmem_shared>>
        tpu.enqueue_indirect_dma source(%arg8 : memref<128x64xf32, #tpu.memory_space<vmem>>) target(%dma_start3A_81 : memref<10240x64xf32, #tpu.memory_space<vmem_shared>>) offsets(%dma_start3A_78 : memref<128xi32, #tpu.memory_space<vmem>>) semaphore(%run_scoped3A_71 : memref<!tpu.dma_semaphore, #tpu.memory_space<semaphore_mem>>) {add = true}
        %dma_wait3A_82 = arith.constant 0 : i32
        %dma_wait3A_83 = arith.constant 0 : i32
        %dma_wait3A_84 = tpu.memref_slice %arg7[%scan3A_11, %dma_wait3A_82, %dma_wait3A_83] : memref<2x160x128xi32, #tpu.memory_space<vmem>> -> memref<1x160x128xi32, #tpu.memory_space<vmem>>
        %dma_wait3A_85 = tpu.memref_squeeze %dma_wait3A_84 : memref<1x160x128xi32, #tpu.memory_space<vmem>> -> memref<160x128xi32, #tpu.memory_space<vmem>>
        %dma_wait3A_86 = arith.constant 0 : i32
        %dma_wait3A_87 = tpu.memref_slice %dma_wait3A_85[%mul3A_30, %dma_wait3A_86] : memref<160x128xi32, #tpu.memory_space<vmem>> -> memref<1x128xi32, #tpu.memory_space<vmem>>
        %dma_wait3A_88 = tpu.memref_squeeze %dma_wait3A_87 : memref<1x128xi32, #tpu.memory_space<vmem>> -> memref<128xi32, #tpu.memory_space<vmem>>
        %dma_wait3A_89 = arith.constant 0 : i32
        %dma_wait3A_90 = arith.constant 0 : i32
        %dma_wait3A_91 = tpu.memref_slice %arg10[%dma_wait3A_89, %dma_wait3A_90] : memref<10240x64xf32, #tpu.memory_space<vmem_shared>> -> memref<10240x64xf32, #tpu.memory_space<vmem_shared>>
        tpu.wait_indirect_dma semaphore(%run_scoped3A_71 : memref<!tpu.dma_semaphore, #tpu.memory_space<semaphore_mem>>) src(%arg8 : memref<128x64xf32, #tpu.memory_space<vmem>>) dst(%dma_wait3A_91 : memref<10240x64xf32, #tpu.memory_space<vmem_shared>>)
        tpu.yield
      }) : () -> ()
      %dma_wait3A_60 = arith.constant 0 : i32
      %dma_wait3A_61 = arith.constant 0 : i32
      %dma_wait3A_62 = tpu.memref_slice %arg7[%scan3A_10, %dma_wait3A_60, %dma_wait3A_61] : memref<2x160x128xi32, #tpu.memory_space<vmem>> -> memref<1x160x128xi32, #tpu.memory_space<vmem>>
      %dma_wait3A_63 = tpu.memref_squeeze %dma_wait3A_62 : memref<1x160x128xi32, #tpu.memory_space<vmem>> -> memref<160x128xi32, #tpu.memory_space<vmem>>
      %dma_wait3A_64 = arith.constant 0 : i32
      %dma_wait3A_65 = tpu.memref_slice %dma_wait3A_63[%add3A_31, %dma_wait3A_64] : memref<160x128xi32, #tpu.memory_space<vmem>> -> memref<1x128xi32, #tpu.memory_space<vmem>>
      %dma_wait3A_66 = tpu.memref_squeeze %dma_wait3A_65 : memref<1x128xi32, #tpu.memory_space<vmem>> -> memref<128xi32, #tpu.memory_space<vmem>>
      %dma_wait3A_67 = arith.constant 0 : i32
      %dma_wait3A_68 = arith.constant 0 : i32
      %dma_wait3A_69 = tpu.memref_slice %arg2[%dma_wait3A_67, %dma_wait3A_68] : memref<20000x64xf32, #tpu.memory_space<hbm>> -> memref<20000x64xf32, #tpu.memory_space<hbm>>
      tpu.wait_indirect_dma semaphore(%arg12 : memref<!tpu.dma_semaphore, #tpu.memory_space<semaphore_mem>>) src(%dma_wait3A_69 : memref<20000x64xf32, #tpu.memory_space<hbm>>) dst(%arg9 : memref<128x64xf32, #tpu.memory_space<vmem>>)
      "tpu.region"() ({
        %run_scoped3A_71 = tpu.sem_alloc : memref<!tpu.dma_semaphore, #tpu.memory_space<semaphore_mem>>
        %dma_start3A_72 = arith.constant 0 : i32
        %dma_start3A_73 = arith.constant 0 : i32
        %dma_start3A_74 = tpu.memref_slice %arg7[%scan3A_11, %dma_start3A_72, %dma_start3A_73] : memref<2x160x128xi32, #tpu.memory_space<vmem>> -> memref<1x160x128xi32, #tpu.memory_space<vmem>>
        %dma_start3A_75 = tpu.memref_squeeze %dma_start3A_74 : memref<1x160x128xi32, #tpu.memory_space<vmem>> -> memref<160x128xi32, #tpu.memory_space<vmem>>
        %dma_start3A_76 = arith.constant 0 : i32
        %dma_start3A_77 = tpu.memref_slice %dma_start3A_75[%add3A_31, %dma_start3A_76] : memref<160x128xi32, #tpu.memory_space<vmem>> -> memref<1x128xi32, #tpu.memory_space<vmem>>
        %dma_start3A_78 = tpu.memref_squeeze %dma_start3A_77 : memref<1x128xi32, #tpu.memory_space<vmem>> -> memref<128xi32, #tpu.memory_space<vmem>>
        %dma_start3A_79 = arith.constant 0 : i32
        %dma_start3A_80 = arith.constant 0 : i32
        %dma_start3A_81 = tpu.memref_slice %arg10[%dma_start3A_79, %dma_start3A_80] : memref<10240x64xf32, #tpu.memory_space<vmem_shared>> -> memref<10240x64xf32, #tpu.memory_space<vmem_shared>>
        tpu.enqueue_indirect_dma source(%arg9 : memref<128x64xf32, #tpu.memory_space<vmem>>) target(%dma_start3A_81 : memref<10240x64xf32, #tpu.memory_space<vmem_shared>>) offsets(%dma_start3A_78 : memref<128xi32, #tpu.memory_space<vmem>>) semaphore(%run_scoped3A_71 : memref<!tpu.dma_semaphore, #tpu.memory_space<semaphore_mem>>) {add = true}
        %dma_wait3A_82 = arith.constant 0 : i32
        %dma_wait3A_83 = arith.constant 0 : i32
        %dma_wait3A_84 = tpu.memref_slice %arg7[%scan3A_11, %dma_wait3A_82, %dma_wait3A_83] : memref<2x160x128xi32, #tpu.memory_space<vmem>> -> memref<1x160x128xi32, #tpu.memory_space<vmem>>
        %dma_wait3A_85 = tpu.memref_squeeze %dma_wait3A_84 : memref<1x160x128xi32, #tpu.memory_space<vmem>> -> memref<160x128xi32, #tpu.memory_space<vmem>>
        %dma_wait3A_86 = arith.constant 0 : i32
        %dma_wait3A_87 = tpu.memref_slice %dma_wait3A_85[%add3A_31, %dma_wait3A_86] : memref<160x128xi32, #tpu.memory_space<vmem>> -> memref<1x128xi32, #tpu.memory_space<vmem>>
        %dma_wait3A_88 = tpu.memref_squeeze %dma_wait3A_87 : memref<1x128xi32, #tpu.memory_space<vmem>> -> memref<128xi32, #tpu.memory_space<vmem>>
        %dma_wait3A_89 = arith.constant 0 : i32
        %dma_wait3A_90 = arith.constant 0 : i32
        %dma_wait3A_91 = tpu.memref_slice %arg10[%dma_wait3A_89, %dma_wait3A_90] : memref<10240x64xf32, #tpu.memory_space<vmem_shared>> -> memref<10240x64xf32, #tpu.memory_space<vmem_shared>>
        tpu.wait_indirect_dma semaphore(%run_scoped3A_71 : memref<!tpu.dma_semaphore, #tpu.memory_space<semaphore_mem>>) src(%arg9 : memref<128x64xf32, #tpu.memory_space<vmem>>) dst(%dma_wait3A_91 : memref<10240x64xf32, #tpu.memory_space<vmem_shared>>)
        tpu.yield
      }) : () -> ()
      %scan3A_70 = arith.constant 0 : i32
      scf.yield %scan3A_70 : i32
    }
    %scan3A_18 = arith.constant 80 : i32
    %barrier3A_19 = arith.constant 0 : index
    tpu.barrier barrier_id(%barrier3A_19)
    %scan3A_20 = arith.constant 0 : i32
    %scan3A_21 = arith.constant 0 : i32
    %scan3A_22 = arith.constant 5 : i32
    %scan3A_23 = arith.addi %scan3A_21, %scan3A_22 : i32
    %scan3A_24 = arith.constant 1 : i32
    %scan3A_25 = scf.for %scan3A_27 = %scan3A_21 to %scan3A_23 step %scan3A_24 iter_args(%scan3A_28 = %scan3A_20) -> (i32)  : i32 {
      %mul3A_29 = arith.constant 640 : i32
      %mul3A_30 = arith.muli %arg1, %mul3A_29 : i32
      %mul3A_31 = arith.constant 128 : i32
      %mul3A_32 = arith.muli %scan3A_27, %mul3A_31 : i32
      %add3A = arith.addi %mul3A_30, %mul3A_32 : i32
      "tpu.region"() ({
        %run_scoped3A_34 = tpu.sem_alloc : memref<!tpu.dma_semaphore, #tpu.memory_space<semaphore_mem>>
        %dma_start3A = arith.constant 0 : i32
        %dma_start3A_35 = tpu.memref_slice %arg10[%add3A, %dma_start3A] : memref<10240x64xf32, #tpu.memory_space<vmem_shared>> -> memref<128x64xf32, #tpu.memory_space<vmem_shared>>
        %dma_start3A_36 = arith.constant 0 : i32
        %dma_start3A_37 = tpu.memref_slice %arg10[%add3A, %dma_start3A_36] : memref<10240x64xf32, #tpu.memory_space<vmem_shared>> -> memref<128x64xf32, #tpu.memory_space<vmem_shared>>
        tpu.enqueue_dma source(%dma_start3A_37 : memref<128x64xf32, #tpu.memory_space<vmem_shared>>) target(%arg8 : memref<128x64xf32, #tpu.memory_space<vmem>>) target_semaphore(%run_scoped3A_34 : memref<!tpu.dma_semaphore, #tpu.memory_space<semaphore_mem>>)
        %dma_wait3A = arith.constant 0 : i32
        %dma_wait3A_38 = tpu.memref_slice %arg10[%add3A, %dma_wait3A] : memref<10240x64xf32, #tpu.memory_space<vmem_shared>> -> memref<128x64xf32, #tpu.memory_space<vmem_shared>>
        %dma_wait3A_39 = arith.constant 0 : i32
        %dma_wait3A_40 = tpu.memref_slice %arg10[%add3A, %dma_wait3A_39] : memref<10240x64xf32, #tpu.memory_space<vmem_shared>> -> memref<128x64xf32, #tpu.memory_space<vmem_shared>>
        tpu.wait_dma2 semaphore(%run_scoped3A_34 : memref<!tpu.dma_semaphore, #tpu.memory_space<semaphore_mem>>) src(%dma_wait3A_40 : memref<128x64xf32, #tpu.memory_space<vmem_shared>>) dst(%arg8 : memref<128x64xf32, #tpu.memory_space<vmem>>)
        tpu.yield
      }) : () -> ()
      "tpu.region"() ({
        %run_scoped3A_34 = tpu.sem_alloc : memref<!tpu.dma_semaphore, #tpu.memory_space<semaphore_mem>>
        %dma_start3A = arith.constant 0 : i32
        %dma_start3A_35 = tpu.memref_slice %arg6[%arg0, %add3A, %dma_start3A] : memref<2x10240x64xf32, #tpu.memory_space<hbm>> -> memref<1x128x64xf32, #tpu.memory_space<hbm>>
        %dma_start3A_36 = tpu.memref_squeeze %dma_start3A_35 : memref<1x128x64xf32, #tpu.memory_space<hbm>> -> memref<128x64xf32, #tpu.memory_space<hbm>>
        %dma_start3A_37 = arith.constant 0 : i32
        %dma_start3A_38 = tpu.memref_slice %arg6[%arg0, %add3A, %dma_start3A_37] : memref<2x10240x64xf32, #tpu.memory_space<hbm>> -> memref<1x128x64xf32, #tpu.memory_space<hbm>>
        %dma_start3A_39 = tpu.memref_squeeze %dma_start3A_38 : memref<1x128x64xf32, #tpu.memory_space<hbm>> -> memref<128x64xf32, #tpu.memory_space<hbm>>
        tpu.enqueue_dma source(%arg8 : memref<128x64xf32, #tpu.memory_space<vmem>>) target(%dma_start3A_39 : memref<128x64xf32, #tpu.memory_space<hbm>>) target_semaphore(%run_scoped3A_34 : memref<!tpu.dma_semaphore, #tpu.memory_space<semaphore_mem>>)
        %dma_wait3A = arith.constant 0 : i32
        %dma_wait3A_40 = tpu.memref_slice %arg6[%arg0, %add3A, %dma_wait3A] : memref<2x10240x64xf32, #tpu.memory_space<hbm>> -> memref<1x128x64xf32, #tpu.memory_space<hbm>>
        %dma_wait3A_41 = tpu.memref_squeeze %dma_wait3A_40 : memref<1x128x64xf32, #tpu.memory_space<hbm>> -> memref<128x64xf32, #tpu.memory_space<hbm>>
        %dma_wait3A_42 = arith.constant 0 : i32
        %dma_wait3A_43 = tpu.memref_slice %arg6[%arg0, %add3A, %dma_wait3A_42] : memref<2x10240x64xf32, #tpu.memory_space<hbm>> -> memref<1x128x64xf32, #tpu.memory_space<hbm>>
        %dma_wait3A_44 = tpu.memref_squeeze %dma_wait3A_43 : memref<1x128x64xf32, #tpu.memory_space<hbm>> -> memref<128x64xf32, #tpu.memory_space<hbm>>
        tpu.wait_dma2 semaphore(%run_scoped3A_34 : memref<!tpu.dma_semaphore, #tpu.memory_space<semaphore_mem>>) src(%arg8 : memref<128x64xf32, #tpu.memory_space<vmem>>) dst(%dma_wait3A_44 : memref<128x64xf32, #tpu.memory_space<hbm>>)
        tpu.yield
      }) : () -> ()
      %scan3A_33 = arith.constant 0 : i32
      scf.yield %scan3A_33 : i32
    }
    %scan3A_26 = arith.constant 5 : i32
    return
  }
}

#map = affine_map<(d0, d1) -> (0, 0)>
module attributes {stable_mosaic.version = 14 : i64} {
  func.func @_deg_kernel(%arg0: i32, %arg1: i32, %arg2: memref<2560x128xi32, #tpu.memory_space<hbm>>, %arg3: memref<2x10240xf32, #tpu.memory_space<hbm>>, %arg4: memref<80x128xi32, #tpu.memory_space<vmem>>, %arg5: memref<128xf32, #tpu.memory_space<vmem>>, %arg6: memref<640xf32, #tpu.memory_space<vmem>>, %arg7: memref<10240xf32, #tpu.memory_space<vmem_shared>>) attributes {dimension_semantics = [#tpu.dimension_semantics<core_parallel>, #tpu.dimension_semantics<subcore_parallel>], iteration_bounds = array<i64: 2, 16>, scalar_prefetch = 0 : i64, scratch_operands = 4 : i64, tpu.core_type = #tpu.core_type<sc_vector_subcore>, window_params = [{transform_indices = #map}, {transform_indices = #map}]} {
    %mul3A = arith.constant 16 : i32
    %mul3A_0 = arith.muli %arg0, %mul3A : i32
    %add3A = arith.addi %mul3A_0, %arg1 : i32
    %mul3A_1 = arith.constant 80 : i32
    %mul3A_2 = arith.muli %add3A, %mul3A_1 : i32
    "tpu.region"() ({
      %run_scoped3A = tpu.sem_alloc : memref<!tpu.dma_semaphore, #tpu.memory_space<semaphore_mem>>
      %dma_start3A = arith.constant 0 : i32
      %dma_start3A_30 = tpu.memref_slice %arg2[%mul3A_2, %dma_start3A] : memref<2560x128xi32, #tpu.memory_space<hbm>> -> memref<80x128xi32, #tpu.memory_space<hbm>>
      %dma_start3A_31 = arith.constant 0 : i32
      %dma_start3A_32 = tpu.memref_slice %arg2[%mul3A_2, %dma_start3A_31] : memref<2560x128xi32, #tpu.memory_space<hbm>> -> memref<80x128xi32, #tpu.memory_space<hbm>>
      tpu.enqueue_dma source(%dma_start3A_32 : memref<80x128xi32, #tpu.memory_space<hbm>>) target(%arg4 : memref<80x128xi32, #tpu.memory_space<vmem>>) target_semaphore(%run_scoped3A : memref<!tpu.dma_semaphore, #tpu.memory_space<semaphore_mem>>)
      %dma_wait3A = arith.constant 0 : i32
      %dma_wait3A_33 = tpu.memref_slice %arg2[%mul3A_2, %dma_wait3A] : memref<2560x128xi32, #tpu.memory_space<hbm>> -> memref<80x128xi32, #tpu.memory_space<hbm>>
      %dma_wait3A_34 = arith.constant 0 : i32
      %dma_wait3A_35 = tpu.memref_slice %arg2[%mul3A_2, %dma_wait3A_34] : memref<2560x128xi32, #tpu.memory_space<hbm>> -> memref<80x128xi32, #tpu.memory_space<hbm>>
      tpu.wait_dma2 semaphore(%run_scoped3A : memref<!tpu.dma_semaphore, #tpu.memory_space<semaphore_mem>>) src(%dma_wait3A_35 : memref<80x128xi32, #tpu.memory_space<hbm>>) dst(%arg4 : memref<80x128xi32, #tpu.memory_space<vmem>>)
      tpu.yield
    }) : () -> ()
    %scan3A = arith.constant 0 : i32
    %scan3A_3 = arith.constant 0 : i32
    %scan3A_4 = arith.constant 8 : i32
    %scan3A_5 = arith.addi %scan3A_3, %scan3A_4 : i32
    %scan3A_6 = arith.constant 1 : i32
    %scan3A_7 = scf.for %scan3A_30 = %scan3A_3 to %scan3A_5 step %scan3A_6 iter_args(%scan3A_31 = %scan3A) -> (i32)  : i32 {
      %broadcast_in_dim3A = arith.constant 1.000000e+00 : f32
      %broadcast_in_dim3A_32 = vector.broadcast %broadcast_in_dim3A : f32 to vector<16xf32>
      %mul3A_33 = arith.constant 16 : i32
      %mul3A_34 = arith.muli %scan3A_30, %mul3A_33 : i32
      %swap3A = arith.index_cast %mul3A_34 : i32 to index
      %swap3A_35 = tpu.vector_load %arg5[%swap3A] {strides = array<i32>} : memref<128xf32, #tpu.memory_space<vmem>>, vector<16xf32>,
      %swap3A_36 = vector.shape_cast %swap3A_35 : vector<16xf32> to vector<16xf32>
      %swap3A_37 = vector.shape_cast %broadcast_in_dim3A_32 : vector<16xf32> to vector<16xf32>
      tpu.vector_store %arg5[%swap3A], %swap3A_37 {strides = array<i32>} : memref<128xf32, #tpu.memory_space<vmem>>, vector<16xf32>,
      %scan3A_38 = arith.constant 0 : i32
      scf.yield %scan3A_38 : i32
    }
    %scan3A_8 = arith.constant 8 : i32
    %scan3A_9 = arith.constant 0 : i32
    %scan3A_10 = arith.constant 0 : i32
    %scan3A_11 = arith.constant 40 : i32
    %scan3A_12 = arith.addi %scan3A_10, %scan3A_11 : i32
    %scan3A_13 = arith.constant 1 : i32
    %scan3A_14 = scf.for %scan3A_30 = %scan3A_10 to %scan3A_12 step %scan3A_13 iter_args(%scan3A_31 = %scan3A_9) -> (i32)  : i32 {
      %broadcast_in_dim3A = arith.constant 0.000000e+00 : f32
      %broadcast_in_dim3A_32 = vector.broadcast %broadcast_in_dim3A : f32 to vector<16xf32>
      %mul3A_33 = arith.constant 16 : i32
      %mul3A_34 = arith.muli %scan3A_30, %mul3A_33 : i32
      %swap3A = arith.index_cast %mul3A_34 : i32 to index
      %swap3A_35 = tpu.vector_load %arg6[%swap3A] {strides = array<i32>} : memref<640xf32, #tpu.memory_space<vmem>>, vector<16xf32>,
      %swap3A_36 = vector.shape_cast %swap3A_35 : vector<16xf32> to vector<16xf32>
      %swap3A_37 = vector.shape_cast %broadcast_in_dim3A_32 : vector<16xf32> to vector<16xf32>
      tpu.vector_store %arg6[%swap3A], %swap3A_37 {strides = array<i32>} : memref<640xf32, #tpu.memory_space<vmem>>, vector<16xf32>,
      %scan3A_38 = arith.constant 0 : i32
      scf.yield %scan3A_38 : i32
    }
    %scan3A_15 = arith.constant 40 : i32
    %mul3A_16 = arith.constant 640 : i32
    %mul3A_17 = arith.muli %arg1, %mul3A_16 : i32
    "tpu.region"() ({
      %run_scoped3A = tpu.sem_alloc : memref<!tpu.dma_semaphore, #tpu.memory_space<semaphore_mem>>
      %dma_start3A = tpu.memref_slice %arg7[%mul3A_17] : memref<10240xf32, #tpu.memory_space<vmem_shared>> -> memref<640xf32, #tpu.memory_space<vmem_shared>>
      %dma_start3A_30 = tpu.memref_slice %arg7[%mul3A_17] : memref<10240xf32, #tpu.memory_space<vmem_shared>> -> memref<640xf32, #tpu.memory_space<vmem_shared>>
      tpu.enqueue_dma source(%arg6 : memref<640xf32, #tpu.memory_space<vmem>>) target(%dma_start3A_30 : memref<640xf32, #tpu.memory_space<vmem_shared>>) target_semaphore(%run_scoped3A : memref<!tpu.dma_semaphore, #tpu.memory_space<semaphore_mem>>)
      %dma_wait3A = tpu.memref_slice %arg7[%mul3A_17] : memref<10240xf32, #tpu.memory_space<vmem_shared>> -> memref<640xf32, #tpu.memory_space<vmem_shared>>
      %dma_wait3A_31 = tpu.memref_slice %arg7[%mul3A_17] : memref<10240xf32, #tpu.memory_space<vmem_shared>> -> memref<640xf32, #tpu.memory_space<vmem_shared>>
      tpu.wait_dma2 semaphore(%run_scoped3A : memref<!tpu.dma_semaphore, #tpu.memory_space<semaphore_mem>>) src(%arg6 : memref<640xf32, #tpu.memory_space<vmem>>) dst(%dma_wait3A_31 : memref<640xf32, #tpu.memory_space<vmem_shared>>)
      tpu.yield
    }) : () -> ()
    %barrier3A = arith.constant 0 : index
    tpu.barrier barrier_id(%barrier3A)
    %scan3A_18 = arith.constant 0 : i32
    %scan3A_19 = arith.constant 0 : i32
    %scan3A_20 = arith.constant 80 : i32
    %scan3A_21 = arith.addi %scan3A_19, %scan3A_20 : i32
    %scan3A_22 = arith.constant 1 : i32
    %scan3A_23 = scf.for %scan3A_30 = %scan3A_19 to %scan3A_21 step %scan3A_22 iter_args(%scan3A_31 = %scan3A_18) -> (i32)  : i32 {
      "tpu.region"() ({
        %run_scoped3A = tpu.sem_alloc : memref<!tpu.dma_semaphore, #tpu.memory_space<semaphore_mem>>
        %dma_start3A = arith.constant 0 : i32
        %dma_start3A_33 = tpu.memref_slice %arg4[%scan3A_30, %dma_start3A] : memref<80x128xi32, #tpu.memory_space<vmem>> -> memref<1x128xi32, #tpu.memory_space<vmem>>
        %dma_start3A_34 = tpu.memref_squeeze %dma_start3A_33 : memref<1x128xi32, #tpu.memory_space<vmem>> -> memref<128xi32, #tpu.memory_space<vmem>>
        %dma_start3A_35 = arith.constant 0 : i32
        %dma_start3A_36 = tpu.memref_slice %arg7[%dma_start3A_35] : memref<10240xf32, #tpu.memory_space<vmem_shared>> -> memref<10240xf32, #tpu.memory_space<vmem_shared>>
        tpu.enqueue_indirect_dma source(%arg5 : memref<128xf32, #tpu.memory_space<vmem>>) target(%dma_start3A_36 : memref<10240xf32, #tpu.memory_space<vmem_shared>>) offsets(%dma_start3A_34 : memref<128xi32, #tpu.memory_space<vmem>>) semaphore(%run_scoped3A : memref<!tpu.dma_semaphore, #tpu.memory_space<semaphore_mem>>) {add = true}
        %dma_wait3A = arith.constant 0 : i32
        %dma_wait3A_37 = tpu.memref_slice %arg4[%scan3A_30, %dma_wait3A] : memref<80x128xi32, #tpu.memory_space<vmem>> -> memref<1x128xi32, #tpu.memory_space<vmem>>
        %dma_wait3A_38 = tpu.memref_squeeze %dma_wait3A_37 : memref<1x128xi32, #tpu.memory_space<vmem>> -> memref<128xi32, #tpu.memory_space<vmem>>
        %dma_wait3A_39 = arith.constant 0 : i32
        %dma_wait3A_40 = tpu.memref_slice %arg7[%dma_wait3A_39] : memref<10240xf32, #tpu.memory_space<vmem_shared>> -> memref<10240xf32, #tpu.memory_space<vmem_shared>>
        tpu.wait_indirect_dma semaphore(%run_scoped3A : memref<!tpu.dma_semaphore, #tpu.memory_space<semaphore_mem>>) src(%arg5 : memref<128xf32, #tpu.memory_space<vmem>>) dst(%dma_wait3A_40 : memref<10240xf32, #tpu.memory_space<vmem_shared>>)
        tpu.yield
      }) : () -> ()
      %scan3A_32 = arith.constant 0 : i32
      scf.yield %scan3A_32 : i32
    }
    %scan3A_24 = arith.constant 80 : i32
    %barrier3A_25 = arith.constant 0 : index
    tpu.barrier barrier_id(%barrier3A_25)
    %mul3A_26 = arith.constant 640 : i32
    %mul3A_27 = arith.muli %arg1, %mul3A_26 : i32
    "tpu.region"() ({
      %run_scoped3A = tpu.sem_alloc : memref<!tpu.dma_semaphore, #tpu.memory_space<semaphore_mem>>
      %dma_start3A = tpu.memref_slice %arg7[%mul3A_27] : memref<10240xf32, #tpu.memory_space<vmem_shared>> -> memref<640xf32, #tpu.memory_space<vmem_shared>>
      %dma_start3A_30 = tpu.memref_slice %arg7[%mul3A_27] : memref<10240xf32, #tpu.memory_space<vmem_shared>> -> memref<640xf32, #tpu.memory_space<vmem_shared>>
      tpu.enqueue_dma source(%dma_start3A_30 : memref<640xf32, #tpu.memory_space<vmem_shared>>) target(%arg6 : memref<640xf32, #tpu.memory_space<vmem>>) target_semaphore(%run_scoped3A : memref<!tpu.dma_semaphore, #tpu.memory_space<semaphore_mem>>)
      %dma_wait3A = tpu.memref_slice %arg7[%mul3A_27] : memref<10240xf32, #tpu.memory_space<vmem_shared>> -> memref<640xf32, #tpu.memory_space<vmem_shared>>
      %dma_wait3A_31 = tpu.memref_slice %arg7[%mul3A_27] : memref<10240xf32, #tpu.memory_space<vmem_shared>> -> memref<640xf32, #tpu.memory_space<vmem_shared>>
      tpu.wait_dma2 semaphore(%run_scoped3A : memref<!tpu.dma_semaphore, #tpu.memory_space<semaphore_mem>>) src(%dma_wait3A_31 : memref<640xf32, #tpu.memory_space<vmem_shared>>) dst(%arg6 : memref<640xf32, #tpu.memory_space<vmem>>)
      tpu.yield
    }) : () -> ()
    %mul3A_28 = arith.constant 640 : i32
    %mul3A_29 = arith.muli %arg1, %mul3A_28 : i32
    "tpu.region"() ({
      %run_scoped3A = tpu.sem_alloc : memref<!tpu.dma_semaphore, #tpu.memory_space<semaphore_mem>>
      %dma_start3A = tpu.memref_slice %arg3[%arg0, %mul3A_29] : memref<2x10240xf32, #tpu.memory_space<hbm>> -> memref<1x640xf32, #tpu.memory_space<hbm>>
      %dma_start3A_30 = tpu.memref_squeeze %dma_start3A : memref<1x640xf32, #tpu.memory_space<hbm>> -> memref<640xf32, #tpu.memory_space<hbm>>
      %dma_start3A_31 = tpu.memref_slice %arg3[%arg0, %mul3A_29] : memref<2x10240xf32, #tpu.memory_space<hbm>> -> memref<1x640xf32, #tpu.memory_space<hbm>>
      %dma_start3A_32 = tpu.memref_squeeze %dma_start3A_31 : memref<1x640xf32, #tpu.memory_space<hbm>> -> memref<640xf32, #tpu.memory_space<hbm>>
      tpu.enqueue_dma source(%arg6 : memref<640xf32, #tpu.memory_space<vmem>>) target(%dma_start3A_32 : memref<640xf32, #tpu.memory_space<hbm>>) target_semaphore(%run_scoped3A : memref<!tpu.dma_semaphore, #tpu.memory_space<semaphore_mem>>)
      %dma_wait3A = tpu.memref_slice %arg3[%arg0, %mul3A_29] : memref<2x10240xf32, #tpu.memory_space<hbm>> -> memref<1x640xf32, #tpu.memory_space<hbm>>
      %dma_wait3A_33 = tpu.memref_squeeze %dma_wait3A : memref<1x640xf32, #tpu.memory_space<hbm>> -> memref<640xf32, #tpu.memory_space<hbm>>
      %dma_wait3A_34 = tpu.memref_slice %arg3[%arg0, %mul3A_29] : memref<2x10240xf32, #tpu.memory_space<hbm>> -> memref<1x640xf32, #tpu.memory_space<hbm>>
      %dma_wait3A_35 = tpu.memref_squeeze %dma_wait3A_34 : memref<1x640xf32, #tpu.memory_space<hbm>> -> memref<640xf32, #tpu.memory_space<hbm>>
      tpu.wait_dma2 semaphore(%run_scoped3A : memref<!tpu.dma_semaphore, #tpu.memory_space<semaphore_mem>>) src(%arg6 : memref<640xf32, #tpu.memory_space<vmem>>) dst(%dma_wait3A_35 : memref<640xf32, #tpu.memory_space<hbm>>)
      tpu.yield
    }) : () -> ()
    return
  }
}

module attributes {stable_mosaic.version = 14 : i64} {
  func.func @_tc_mid_body(%arg0: i32, %arg1: memref<2x1000x64xf32, #tpu.memory_space<vmem>>, %arg2: memref<1000x128xf32, #tpu.memory_space<vmem>>, %arg3: memref<1000x1xf32, #tpu.memory_space<vmem>>, %arg4: memref<1x128xf32, #tpu.memory_space<vmem>>, %arg5: memref<128x128xf32, #tpu.memory_space<vmem>>, %arg6: memref<1000x128xf32, #tpu.memory_space<vmem>>) attributes {dimension_semantics = [#tpu.dimension_semantics<arbitrary>], iteration_bounds = array<i64: 10>, scalar_prefetch = 0 : i64, scratch_operands = 0 : i64, tpu.core_type = #tpu.core_type<tc>, window_params = [{transform_indices = @transform_0, window_bounds = array<i64: 2, 1000, 64>}, {transform_indices = @transform_1, window_bounds = array<i64: 1000, 128>}, {transform_indices = @transform_2, window_bounds = array<i64: 1000, 1>}, {pipeline_mode = #tpu.pipeline_mode<synchronous>, transform_indices = @transform_3, window_bounds = array<i64: 1, 128>}, {pipeline_mode = #tpu.pipeline_mode<synchronous>, transform_indices = @transform_4, window_bounds = array<i64: 128, 128>}, {transform_indices = @transform_5, window_bounds = array<i64: 1000, 128>}]} {
    %get3A = arith.constant 0 : index
    %get3A_0 = arith.constant 0 : index
    %get3A_1 = arith.constant 0 : index
    %get3A_2 = vector.load %arg1[%get3A, %get3A_0, %get3A_1] : memref<2x1000x64xf32, #tpu.memory_space<vmem>>, vector<1x1000x64xf32>
    %get3A_3 = vector.shape_cast %get3A_2 : vector<1x1000x64xf32> to vector<1000x64xf32>
    %get3A_4 = arith.constant 1 : index
    %get3A_5 = arith.constant 0 : index
    %get3A_6 = arith.constant 0 : index
    %get3A_7 = vector.load %arg1[%get3A_4, %get3A_5, %get3A_6] : memref<2x1000x64xf32, #tpu.memory_space<vmem>>, vector<1x1000x64xf32>
    %get3A_8 = vector.shape_cast %get3A_7 : vector<1x1000x64xf32> to vector<1000x64xf32>
    %concatenate3A = tpu.concatenate %get3A_3, %get3A_8 in 1 : vector<1000x64xf32>, vector<1000x64xf32> -> vector<1000x128xf32>
    %get3A_9 = arith.constant 0 : index
    %get3A_10 = arith.constant 0 : index
    %get3A_11 = vector.load %arg2[%get3A_9, %get3A_10] : memref<1000x128xf32, #tpu.memory_space<vmem>>, vector<1000x128xf32>
    %add3A = arith.addf %concatenate3A, %get3A_11 : vector<1000x128xf32>
    %get3A_12 = arith.constant 0 : index
    %get3A_13 = arith.constant 0 : index
    %get3A_14 = vector.load %arg3[%get3A_12, %get3A_13] : memref<1000x1xf32, #tpu.memory_space<vmem>>, vector<1000x1xf32>
    %mul3A = vector.broadcast %get3A_14 : vector<1000x1xf32> to vector<1000x128xf32>
    %mul3A_15 = arith.mulf %mul3A, %add3A : vector<1000x128xf32>
    %get3A_16 = arith.constant 0 : index
    %get3A_17 = arith.constant 0 : index
    %get3A_18 = vector.load %arg4[%get3A_16, %get3A_17] : memref<1x128xf32, #tpu.memory_space<vmem>>, vector<1x128xf32>
    %add3A_19 = vector.broadcast %get3A_18 : vector<1x128xf32> to vector<1000x128xf32>
    %add3A_20 = arith.addf %mul3A_15, %add3A_19 : vector<1000x128xf32>
    %max3A = arith.constant 0.000000e+00 : f32
    %max3A_21 = vector.broadcast %max3A : f32 to vector<1000x128xf32>
    %max3A_22 = arith.maximumf %add3A_20, %max3A_21 : vector<1000x128xf32>
    %get3A_23 = arith.constant 0 : index
    %get3A_24 = arith.constant 0 : index
    %get3A_25 = vector.load %arg3[%get3A_23, %get3A_24] : memref<1000x1xf32, #tpu.memory_space<vmem>>, vector<1000x1xf32>
    %get3A_26 = arith.constant 0 : index
    %get3A_27 = arith.constant 0 : index
    %get3A_28 = vector.load %arg5[%get3A_26, %get3A_27] : memref<128x128xf32, #tpu.memory_space<vmem>>, vector<128x128xf32>
    %dot_general3A = arith.constant dense<0.000000e+00> : vector<1000x128xf32>
    %dot_general3A_29 = tpu.matmul %max3A_22, %get3A_28, %dot_general3A {dimension_numbers = #tpu.dot_dimension_numbers<[1], [0], [0], [1], [0, 0, 1, 1], [], []>, transpose_lhs_hint = false} : vector<1000x128xf32>, vector<128x128xf32>, vector<1000x128xf32> -> vector<1000x128xf32>
    %mul3A_30 = vector.broadcast %get3A_25 : vector<1000x1xf32> to vector<1000x128xf32>
    %mul3A_31 = arith.mulf %mul3A_30, %dot_general3A_29 : vector<1000x128xf32>
    %swap3A = arith.constant 0 : index
    %swap3A_32 = arith.constant 0 : index
    %swap3A_33 = vector.load %arg6[%swap3A, %swap3A_32] : memref<1000x128xf32, #tpu.memory_space<vmem>>, vector<1000x128xf32>
    tpu.vector_store %arg6[%swap3A, %swap3A_32], %mul3A_31 {strides = array<i32>} : memref<1000x128xf32, #tpu.memory_space<vmem>>, vector<1000x128xf32>,
    return
  }
  func.func @transform_0(%arg0: i32) -> (i32, i32, i32) {
    %c0_i32 = arith.constant 0 : i32
    %c0_i32_0 = arith.constant 0 : i32
    %c0_i32_1 = arith.constant 0 : i32
    return %c0_i32, %arg0, %c0_i32_0 : i32, i32, i32
  }
  func.func @transform_1(%arg0: i32) -> (i32, i32) {
    %c0_i32 = arith.constant 0 : i32
    %c0_i32_0 = arith.constant 0 : i32
    return %arg0, %c0_i32 : i32, i32
  }
  func.func @transform_2(%arg0: i32) -> (i32, i32) {
    %c0_i32 = arith.constant 0 : i32
    %c0_i32_0 = arith.constant 0 : i32
    return %arg0, %c0_i32 : i32, i32
  }
  func.func @transform_3(%arg0: i32) -> (i32, i32) {
    %c0_i32 = arith.constant 0 : i32
    %c0_i32_0 = arith.constant 0 : i32
    %c0_i32_1 = arith.constant 0 : i32
    return %c0_i32, %c0_i32_0 : i32, i32
  }
  func.func @transform_4(%arg0: i32) -> (i32, i32) {
    %c0_i32 = arith.constant 0 : i32
    %c0_i32_0 = arith.constant 0 : i32
    %c0_i32_1 = arith.constant 0 : i32
    return %c0_i32, %c0_i32_0 : i32, i32
  }
  func.func @transform_5(%arg0: i32) -> (i32, i32) {
    %c0_i32 = arith.constant 0 : i32
    %c0_i32_0 = arith.constant 0 : i32
    return %arg0, %c0_i32 : i32, i32
  }
}

module attributes {stable_mosaic.version = 14 : i64} {
  func.func @_tc1_body(%arg0: i32, %arg1: memref<2x1000x1xf32, #tpu.memory_space<vmem>>, %arg2: memref<1000x128xf32, #tpu.memory_space<vmem>>, %arg3: memref<128x128xf32, #tpu.memory_space<vmem>>, %arg4: memref<1000x128xf32, #tpu.memory_space<vmem>>, %arg5: memref<1000x1xf32, #tpu.memory_space<vmem>>) attributes {dimension_semantics = [#tpu.dimension_semantics<arbitrary>], iteration_bounds = array<i64: 10>, scalar_prefetch = 0 : i64, scratch_operands = 0 : i64, tpu.core_type = #tpu.core_type<tc>, window_params = [{transform_indices = @transform_0, window_bounds = array<i64: 2, 1000, 1>}, {transform_indices = @transform_1, window_bounds = array<i64: 1000, 128>}, {pipeline_mode = #tpu.pipeline_mode<synchronous>, transform_indices = @transform_2, window_bounds = array<i64: 128, 128>}, {transform_indices = @transform_3, window_bounds = array<i64: 1000, 128>}, {transform_indices = @transform_4, window_bounds = array<i64: 1000, 1>}]} {
    %get3A = arith.constant 0 : index
    %get3A_0 = arith.constant 0 : index
    %get3A_1 = arith.constant 0 : index
    %get3A_2 = vector.load %arg1[%get3A, %get3A_0, %get3A_1] : memref<2x1000x1xf32, #tpu.memory_space<vmem>>, vector<1x1000x1xf32>
    %get3A_3 = vector.shape_cast %get3A_2 : vector<1x1000x1xf32> to vector<1000x1xf32>
    %get3A_4 = arith.constant 1 : index
    %get3A_5 = arith.constant 0 : index
    %get3A_6 = arith.constant 0 : index
    %get3A_7 = vector.load %arg1[%get3A_4, %get3A_5, %get3A_6] : memref<2x1000x1xf32, #tpu.memory_space<vmem>>, vector<1x1000x1xf32>
    %get3A_8 = vector.shape_cast %get3A_7 : vector<1x1000x1xf32> to vector<1000x1xf32>
    %add3A = arith.addf %get3A_3, %get3A_8 : vector<1000x1xf32>
    %add3A_9 = arith.constant 1.000000e+00 : f32
    %add3A_10 = vector.broadcast %add3A_9 : f32 to vector<1000x1xf32>
    %add3A_11 = arith.addf %add3A, %add3A_10 : vector<1000x1xf32>
    %rsqrt3A = math.rsqrt %add3A_11 : vector<1000x1xf32>
    %get3A_12 = arith.constant 0 : index
    %get3A_13 = arith.constant 0 : index
    %get3A_14 = vector.load %arg2[%get3A_12, %get3A_13] : memref<1000x128xf32, #tpu.memory_space<vmem>>, vector<1000x128xf32>
    %get3A_15 = arith.constant 0 : index
    %get3A_16 = arith.constant 0 : index
    %get3A_17 = vector.load %arg3[%get3A_15, %get3A_16] : memref<128x128xf32, #tpu.memory_space<vmem>>, vector<128x128xf32>
    %dot_general3A = arith.constant dense<0.000000e+00> : vector<1000x128xf32>
    %dot_general3A_18 = tpu.matmul %get3A_14, %get3A_17, %dot_general3A {dimension_numbers = #tpu.dot_dimension_numbers<[1], [0], [0], [1], [0, 0, 1, 1], [], []>, transpose_lhs_hint = false} : vector<1000x128xf32>, vector<128x128xf32>, vector<1000x128xf32> -> vector<1000x128xf32>
    %mul3A = vector.broadcast %rsqrt3A : vector<1000x1xf32> to vector<1000x128xf32>
    %mul3A_19 = arith.mulf %mul3A, %dot_general3A_18 : vector<1000x128xf32>
    %swap3A = arith.constant 0 : index
    %swap3A_20 = arith.constant 0 : index
    %swap3A_21 = vector.load %arg4[%swap3A, %swap3A_20] : memref<1000x128xf32, #tpu.memory_space<vmem>>, vector<1000x128xf32>
    tpu.vector_store %arg4[%swap3A, %swap3A_20], %mul3A_19 {strides = array<i32>} : memref<1000x128xf32, #tpu.memory_space<vmem>>, vector<1000x128xf32>,
    %swap3A_22 = arith.constant 0 : index
    %swap3A_23 = arith.constant 0 : index
    %swap3A_24 = vector.load %arg5[%swap3A_22, %swap3A_23] : memref<1000x1xf32, #tpu.memory_space<vmem>>, vector<1000x1xf32>
    tpu.vector_store %arg5[%swap3A_22, %swap3A_23], %rsqrt3A {strides = array<i32>} : memref<1000x1xf32, #tpu.memory_space<vmem>>, vector<1000x1xf32>,
    return
  }
  func.func @transform_0(%arg0: i32) -> (i32, i32, i32) {
    %c0_i32 = arith.constant 0 : i32
    %c0_i32_0 = arith.constant 0 : i32
    %c0_i32_1 = arith.constant 0 : i32
    return %c0_i32, %arg0, %c0_i32_0 : i32, i32, i32
  }
  func.func @transform_1(%arg0: i32) -> (i32, i32) {
    %c0_i32 = arith.constant 0 : i32
    %c0_i32_0 = arith.constant 0 : i32
    return %arg0, %c0_i32 : i32, i32
  }
  func.func @transform_2(%arg0: i32) -> (i32, i32) {
    %c0_i32 = arith.constant 0 : i32
    %c0_i32_0 = arith.constant 0 : i32
    %c0_i32_1 = arith.constant 0 : i32
    return %c0_i32, %c0_i32_0 : i32, i32
  }
  func.func @transform_3(%arg0: i32) -> (i32, i32) {
    %c0_i32 = arith.constant 0 : i32
    %c0_i32_0 = arith.constant 0 : i32
    return %arg0, %c0_i32 : i32, i32
  }
  func.func @transform_4(%arg0: i32) -> (i32, i32) {
    %c0_i32 = arith.constant 0 : i32
    %c0_i32_0 = arith.constant 0 : i32
    return %arg0, %c0_i32 : i32, i32
  }
}

module attributes {stable_mosaic.version = 14 : i64} {
  func.func @_tc_out_body(%arg0: i32, %arg1: memref<2x1000x64xf32, #tpu.memory_space<vmem>>, %arg2: memref<1000x128xf32, #tpu.memory_space<vmem>>, %arg3: memref<1000x1xf32, #tpu.memory_space<vmem>>, %arg4: memref<1x128xf32, #tpu.memory_space<vmem>>, %arg5: memref<128x16xf32, #tpu.memory_space<vmem>>, %arg6: memref<1x16xf32, #tpu.memory_space<vmem>>, %arg7: memref<1000x16xf32, #tpu.memory_space<vmem>>) attributes {dimension_semantics = [#tpu.dimension_semantics<arbitrary>], iteration_bounds = array<i64: 10>, scalar_prefetch = 0 : i64, scratch_operands = 0 : i64, tpu.core_type = #tpu.core_type<tc>, window_params = [{transform_indices = @transform_0, window_bounds = array<i64: 2, 1000, 64>}, {transform_indices = @transform_1, window_bounds = array<i64: 1000, 128>}, {transform_indices = @transform_2, window_bounds = array<i64: 1000, 1>}, {pipeline_mode = #tpu.pipeline_mode<synchronous>, transform_indices = @transform_3, window_bounds = array<i64: 1, 128>}, {pipeline_mode = #tpu.pipeline_mode<synchronous>, transform_indices = @transform_4, window_bounds = array<i64: 128, 16>}, {pipeline_mode = #tpu.pipeline_mode<synchronous>, transform_indices = @transform_5, window_bounds = array<i64: 1, 16>}, {transform_indices = @transform_6, window_bounds = array<i64: 1000, 16>}]} {
    %get3A = arith.constant 0 : index
    %get3A_0 = arith.constant 0 : index
    %get3A_1 = arith.constant 0 : index
    %get3A_2 = vector.load %arg1[%get3A, %get3A_0, %get3A_1] : memref<2x1000x64xf32, #tpu.memory_space<vmem>>, vector<1x1000x64xf32>
    %get3A_3 = vector.shape_cast %get3A_2 : vector<1x1000x64xf32> to vector<1000x64xf32>
    %get3A_4 = arith.constant 1 : index
    %get3A_5 = arith.constant 0 : index
    %get3A_6 = arith.constant 0 : index
    %get3A_7 = vector.load %arg1[%get3A_4, %get3A_5, %get3A_6] : memref<2x1000x64xf32, #tpu.memory_space<vmem>>, vector<1x1000x64xf32>
    %get3A_8 = vector.shape_cast %get3A_7 : vector<1x1000x64xf32> to vector<1000x64xf32>
    %concatenate3A = tpu.concatenate %get3A_3, %get3A_8 in 1 : vector<1000x64xf32>, vector<1000x64xf32> -> vector<1000x128xf32>
    %get3A_9 = arith.constant 0 : index
    %get3A_10 = arith.constant 0 : index
    %get3A_11 = vector.load %arg2[%get3A_9, %get3A_10] : memref<1000x128xf32, #tpu.memory_space<vmem>>, vector<1000x128xf32>
    %add3A = arith.addf %concatenate3A, %get3A_11 : vector<1000x128xf32>
    %get3A_12 = arith.constant 0 : index
    %get3A_13 = arith.constant 0 : index
    %get3A_14 = vector.load %arg3[%get3A_12, %get3A_13] : memref<1000x1xf32, #tpu.memory_space<vmem>>, vector<1000x1xf32>
    %mul3A = vector.broadcast %get3A_14 : vector<1000x1xf32> to vector<1000x128xf32>
    %mul3A_15 = arith.mulf %mul3A, %add3A : vector<1000x128xf32>
    %get3A_16 = arith.constant 0 : index
    %get3A_17 = arith.constant 0 : index
    %get3A_18 = vector.load %arg4[%get3A_16, %get3A_17] : memref<1x128xf32, #tpu.memory_space<vmem>>, vector<1x128xf32>
    %add3A_19 = vector.broadcast %get3A_18 : vector<1x128xf32> to vector<1000x128xf32>
    %add3A_20 = arith.addf %mul3A_15, %add3A_19 : vector<1000x128xf32>
    %max3A = arith.constant 0.000000e+00 : f32
    %max3A_21 = vector.broadcast %max3A : f32 to vector<1000x128xf32>
    %max3A_22 = arith.maximumf %add3A_20, %max3A_21 : vector<1000x128xf32>
    %get3A_23 = arith.constant 0 : index
    %get3A_24 = arith.constant 0 : index
    %get3A_25 = vector.load %arg5[%get3A_23, %get3A_24] : memref<128x16xf32, #tpu.memory_space<vmem>>, vector<128x16xf32>
    %dot_general3A = arith.constant dense<0.000000e+00> : vector<1000x16xf32>
    %dot_general3A_26 = tpu.matmul %max3A_22, %get3A_25, %dot_general3A {dimension_numbers = #tpu.dot_dimension_numbers<[1], [0], [0], [1], [0, 0, 1, 1], [], []>, transpose_lhs_hint = false} : vector<1000x128xf32>, vector<128x16xf32>, vector<1000x16xf32> -> vector<1000x16xf32>
    %get3A_27 = arith.constant 0 : index
    %get3A_28 = arith.constant 0 : index
    %get3A_29 = vector.load %arg6[%get3A_27, %get3A_28] : memref<1x16xf32, #tpu.memory_space<vmem>>, vector<1x16xf32>
    %add3A_30 = vector.broadcast %get3A_29 : vector<1x16xf32> to vector<1000x16xf32>
    %add3A_31 = arith.addf %dot_general3A_26, %add3A_30 : vector<1000x16xf32>
    %swap3A = arith.constant 0 : index
    %swap3A_32 = arith.constant 0 : index
    %swap3A_33 = vector.load %arg7[%swap3A, %swap3A_32] : memref<1000x16xf32, #tpu.memory_space<vmem>>, vector<1000x16xf32>
    tpu.vector_store %arg7[%swap3A, %swap3A_32], %add3A_31 {strides = array<i32>} : memref<1000x16xf32, #tpu.memory_space<vmem>>, vector<1000x16xf32>,
    return
  }
  func.func @transform_0(%arg0: i32) -> (i32, i32, i32) {
    %c0_i32 = arith.constant 0 : i32
    %c0_i32_0 = arith.constant 0 : i32
    %c0_i32_1 = arith.constant 0 : i32
    return %c0_i32, %arg0, %c0_i32_0 : i32, i32, i32
  }
  func.func @transform_1(%arg0: i32) -> (i32, i32) {
    %c0_i32 = arith.constant 0 : i32
    %c0_i32_0 = arith.constant 0 : i32
    return %arg0, %c0_i32 : i32, i32
  }
  func.func @transform_2(%arg0: i32) -> (i32, i32) {
    %c0_i32 = arith.constant 0 : i32
    %c0_i32_0 = arith.constant 0 : i32
    return %arg0, %c0_i32 : i32, i32
  }
  func.func @transform_3(%arg0: i32) -> (i32, i32) {
    %c0_i32 = arith.constant 0 : i32
    %c0_i32_0 = arith.constant 0 : i32
    %c0_i32_1 = arith.constant 0 : i32
    return %c0_i32, %c0_i32_0 : i32, i32
  }
  func.func @transform_4(%arg0: i32) -> (i32, i32) {
    %c0_i32 = arith.constant 0 : i32
    %c0_i32_0 = arith.constant 0 : i32
    %c0_i32_1 = arith.constant 0 : i32
    return %c0_i32, %c0_i32_0 : i32, i32
  }
  func.func @transform_5(%arg0: i32) -> (i32, i32) {
    %c0_i32 = arith.constant 0 : i32
    %c0_i32_0 = arith.constant 0 : i32
    %c0_i32_1 = arith.constant 0 : i32
    return %c0_i32, %c0_i32_0 : i32, i32
  }
  func.func @transform_6(%arg0: i32) -> (i32, i32) {
    %c0_i32 = arith.constant 0 : i32
    %c0_i32_0 = arith.constant 0 : i32
    return %arg0, %c0_i32 : i32, i32
  }
}

</mosaic_0001>

<sc_bundles>
// kernel: kernel.11.cloned.1.call-start
scs
__scs_entry_jumppad:
0x0: {  	(pc) =	sbr.rel $0x88, $3  }
0x1: {  	(tag) =	ssettag $0x0;
	lr =	simm.s32 $0x1  }
0x2: {  	[smem:$0x3F99] =	sst lr;
	_ =	strace $0xD0000000  }
0x3: {  	_ = 	snop  }
0x4: {  	_ = 	snop  }
0x5: {  	_ = 	snop  }
0x6: {  	_ = 	snop  }
0x7: {  	_ = 	snop  }
__scs_overlays_trampoline_lowered:
0x8: {  	[smem:$0x3FA8] =	sst s0  }
0x9: {  	[smem:$0x3FA9] =	sst s1  }
0xa: {  	[smem:$0x3FAA] =	sst s2  }
0xb: {  	[smem:$0x3FAB] =	sst s3  }
0xc: {  	[smem:$0x3FAC] =	sst s4  }
0xd: {  	[smem:$0x3FAD] =	sst s5  }
0xe: {  	[smem:$0x3FAE] =	sst s6  }
0xf: {  	[smem:$0x3FAF] =	sst s7  }
0x10: {  	[smem:$0x3FB0] =	sst s8  }
0x11: {  	[smem:$0x3FB1] =	sst s9;
	s0 =	simm.s32 @!p0 $0x0  }
0x12: {  	s1 =	sld [smem:$0x3F97];
	s0 =	simm.s32 @p0 $0x1  }
0x13: {  	[smem:$0x3FB2] =	sst s0;
	s0 =	simm.s32 @!p1 $0x0  }
0x14: {  	s2 =	sld [smem:$0x3F96];
	s0 =	simm.s32 @p1 $0x1  }
0x15: {  	[smem:$0x3FB3] =	sst s0;
	s0 =	simm.s32 @!p2 $0x0  }
0x16: {  	s3 =	sld [smem:$0x3FDB];
	s0 =	simm.s32 @p2 $0x1  }
0x17: {  	s4 =	simm.s32 $0x1BF5;
	[smem:$0x3FB5] =	sst s0  }
0x18: {  	s0 =	sld [smem:$0x3F98];
	_ =	swait.ge [sflag:s4], $0x0  }
0x19: {  	s7 =	sld [smem:$0x3F99]  }
0x1a: {  	s8 =	sadd.s32 $0xFFFFE003, lr  }
0x1b: {  	s9 =	sadd.s32 $0xFFFFFEF7, lr;
	s5 =	simm.s32 $0xFFFFFFFF;
	p2 =	slt.u32 s8, $0xFFFFF086  }
0x1c: {  	p1 =	slt.u32 s9, $0xF7A;
	s5 =	simm.s32 @!p2 $0x0  }
0x1d: {  	s5 =	simm.s32 @p1 $0x1;
	p0 =	seq.s32 s7, s2  }
0x1e: {  	s7 =	smul.u32 @!p0 $0xF7A, s2;
	p2 =	seq.s32 @!p0 s5, $0x0  }
0x1f: {  	s9 =	smul.u32 $0xF7A, s1;
	s8 =	simm.s32 @!p0 $0x1BF5;
	p2 =	por !p2, p0  }
0x20: {  	[sflag:s8] =	ssyncset.s32 @!p0 $0xFFFFF086;
	s6 =	sadd.s32 @!p0 s3, s7;
	s7 =	simm.s32 @!p0 $0x108  }
0x21: {  	s3 =	sadd.s32 s3, s9;
	s6 =	sadd.s32 @!p0 $0x88, s6;
	s7 =	simm.s32 @p2 $0x1082  }
0x22: {  	[simem:s7], [sflag:s8] =	dma.local @!p0 [hbm:s6], $0xF7A  }
0x23: {  	s9 =	sor.u32 $0xD0000000, s2;
	s6 =	simm.s32 $0x108;
	_ =	swait.ge @!p0 [sflag:s8], $0x0  }
0x24: {  	s3 =	sadd.s32 $0x88, s3;
	s6 =	simm.s32 @!p1 $0x1082;
	[sflag:s4] =	ssyncset.s32 $0xFFFFF086  }
0x25: {  	[simem:s6], [sflag:s4] =	dma.local [hbm:s3], $0xF7A  }
0x26: {  	[smem:$0x3F99] =	sst s1;
	(tag) =	ssettag s2;
	_ =	strace s9  }
0x27: {  	s1 =	sld [smem:$0x3FA9]  }
0x28: {  	s2 =	sld [smem:$0x3FAA]  }
0x29: {  	s4 =	sld [smem:$0x3FAC]  }
0x2a: {  	p0 =	seq.s32 s5, $0x0;
	s5 =	sld [smem:$0x3FAD]  }
0x2b: {  	s6 =	sld [smem:$0x3FAE]  }
0x2c: {  	s7 =	sld [smem:$0x3FAF]  }
0x2d: {  	s3 =	simm.s32 $0x108;
	s8 =	sld [smem:$0x3FB0]  }
0x2e: {  	s3 =	simm.s32 @!p0 $0x1082;
	s9 =	sld [smem:$0x3FB1]  }
0x2f: {  	lr =	sadd.s32 s0, s3;
	s0 =	sld [smem:$0x3FA8]  }
0x30: {  	s3 =	sld [smem:$0x3FAB]  }
0x31: {  	[smem:$0x3FB4] =	sst s10  }
0x32: {  	s10 =	sld [smem:$0x3FB2];
	_ =	sdelay $0x3  }
0x33: {  	p0 =	seq.s32 s10, $0x1;
	s10 =	sld [smem:$0x3FB4];
	_ =	sdelay $0x3  }
0x34: {  	[smem:$0x3FB4] =	sst s10  }
0x35: {  	s10 =	sld [smem:$0x3FB3];
	_ =	sdelay $0x3  }
0x36: {  	p1 =	seq.s32 s10, $0x1;
	s10 =	sld [smem:$0x3FB4];
	_ =	sdelay $0x3  }
0x37: {  	[smem:$0x3FB4] =	sst s10  }
0x38: {  	s10 =	sld [smem:$0x3FB5]  }
0x39: {  	_ = 	snop;
	(pc) =	sbr.ind lr, $3  }
0x3a: {  	_ = 	snop  }
0x3b: {  	_ = 	snop  }
0x3c: {  	p2 =	seq.s32 s10, $0x1;
	s10 =	sld [smem:$0x3FB4]  }
0x3d: {  	_ =	shalt  }
0x3e: {  	_ =	shalt  }
0x3f: {  	_ =	shalt  }
0x40: {  	_ =	shalt  }
0x41: {  	_ =	shalt  }
0x42: {  	_ =	shalt  }
0x43: {  	_ =	shalt  }
0x44: {  	_ =	shalt  }
0x45: {  	_ =	shalt  }
0x46: {  	_ =	shalt  }
0x47: {  	_ =	shalt  }
0x48: {  	_ =	shalt  }
0x49: {  	_ =	shalt  }
0x4a: {  	_ =	shalt  }
0x4b: {  	_ =	shalt  }
0x4c: {  	_ =	shalt  }
0x4d: {  	_ =	shalt  }
0x4e: {  	_ =	shalt  }
0x4f: {  	_ =	shalt  }
0x50: {  	_ =	shalt  }
0x51: {  	_ =	shalt  }
0x52: {  	_ =	shalt  }
0x53: {  	_ =	shalt  }
0x54: {  	_ =	shalt  }
0x55: {  	_ =	shalt  }
0x56: {  	_ =	shalt  }
0x57: {  	_ =	shalt  }
0x58: {  	_ =	shalt  }
0x59: {  	_ =	shalt  }
0x5a: {  	_ =	shalt  }
0x5b: {  	_ =	shalt  }
0x5c: {  	_ =	shalt  }
0x5d: {  	_ =	shalt  }
0x5e: {  	_ =	shalt  }
0x5f: {  	_ =	shalt  }
0x60: {  	_ =	shalt  }
0x61: {  	_ =	shalt  }
0x62: {  	_ =	shalt  }
0x63: {  	_ =	shalt  }
0x64: {  	_ =	shalt  }
0x65: {  	_ =	shalt  }
0x66: {  	_ =	shalt  }
0x67: {  	_ =	shalt  }
0x68: {  	_ =	shalt  }
0x69: {  	_ =	shalt  }
0x6a: {  	_ =	shalt  }
0x6b: {  	_ =	shalt  }
0x6c: {  	_ =	shalt  }
0x6d: {  	_ =	shalt  }
0x6e: {  	_ =	shalt  }
0x6f: {  	_ =	shalt  }
0x70: {  	_ =	shalt  }
0x71: {  	_ =	shalt  }
0x72: {  	_ =	shalt  }
0x73: {  	_ =	shalt  }
0x74: {  	_ =	shalt  }
0x75: {  	_ =	shalt  }
0x76: {  	_ =	shalt  }
0x77: {  	_ =	shalt  }
0x78: {  	_ =	shalt  }
0x79: {  	_ =	shalt  }
0x7a: {  	_ =	shalt  }
0x7b: {  	_ =	shalt  }
0x7c: {  	_ =	shalt  }
0x7d: {  	_ =	shalt  }
0x7e: {  	_ =	shalt  }
0x7f: {  	_ =	shalt  }
0x80: {  	_ =	shalt  }
0x81: {  	_ =	shalt  }
0x82: {  	_ =	shalt  }
0x83: {  	_ =	shalt  }
0x84: {  	_ =	shalt  }
0x85: {  	_ =	shalt  }
0x86: {  	_ =	shalt  }
0x87: {  	_ =	shalt  }
.Lfunc_end0:
.L_simem_size_0:
called_computation.1_lowered:
.L_overlay_start_0:
0x88: {  	s2 =	sld [smem:$0x3FD9]  }
0x89: {  	s3 =	sld [smem:$0x3FFE];
	_ =	sdelay $0x1  }
0x8a: {  	s1 =	srdreg.scid  }
0x8b: {  	s0 =	sand.u32 $0x1, s1  }
0x8c: {  	s17 =	sshll.u32 s0, $0xA;
	s2 =	sadd.s32 s3, s2  }
0x8d: {  	s2 =	sadd.s32 s2, s17  }
0x8e: {  	[smem:$0x3FC0] =	sst s2  }
0x8f: {  	_ = 	snop  }
0x90: {  	s2 =	sld [smem:$0x3FD0];
	(tm) =	ssettm $0x1  }
0x91: {  	s18 =	sld [smem:$0x3FFB];
	_ =	sdelay $0x3  }
0x92: {  	_ =	strace s18  }
0x93: {  	s3 =	sld [smem:$0x3FFC];
	_ =	sdelay $0x3  }
0x94: {  	_ =	strace s3  }
0x95: {  	s3 =	sld [smem:$0x3FFD];
	_ =	sdelay $0x3  }
0x96: {  	_ =	strace s3  }
0x97: {  	_ =	strace $0x8FFFFFFF  }
0x98: {  	s19 =	sld [smem:$0x3FDB];
	_ =	sdelay $0x1  }
0x99: {  	s4 =	simm.s32 $_scs_section_size  }
0x9a: {  	s5 =	simm.s32 $_size__tile_overlayer_lowered;
	s6 =	simm.s32 $_tile_overlayer_lowered  }
0x9b: {  	s22 =	simm.s32 $0x1BFF;
	s21 =	sshll.u32 s6, $0x1;
	s3 =	sadd.s32 s4, s19  }
0x9c: {  	s7 =	simm.s32 $0x0;
	s20 =	sshll.u32 s5, $0x1;
	s5 =	sadd.s32 s21, s3  }
0x9d: {  	[timem:s7], [sflag:s22] =	dma.local [hbm:s5], s20  }
0x9e: {  	_ =	swait.ge [sflag:s22], s20  }
0x9f: {  	s4 =	ssub.s32 $0x0, s20;
	[sflag:s22] =	ssyncset.done $0x0  }
0xa0: {  	[sflag:s22] =	ssyncadd.s32 s4;
	_ =	sdelay $0x1  }
0xa1: {  	s23 =	simm.s32 $0x1B8B  }
0xa2: {  	_ =	swait.ge [sflag:s23], $0x1  }
0xa3: {  	[sflag:s23] =	ssyncset.done $0x0  }
0xa4: {  	s25 =	simm.s32 $0x1B8E;
	s24 =	sld [smem:$0x3FFE];
	[sflag:s23] =	ssyncadd.s32 $0xFFFFFFFF  }
0xa5: {  	s26 =	simm.s32 $execute0_lowered;
	[smem:$0x3FD2] =	sst s25  }
0xa6: {  	s5 =	sshll.u32 s26, $0x1;
	_ =	strace $0x80000049;
	[dreg:$0x1] =	wrdreg $0xFFFFFFFF  }
0xa7: {  	s28 =	simm.s32 $_size_execute0_lowered;
	s3 =	sadd.s32 s3, s5;
	[dreg:$0x0] =	wrdreg $0x0  }
0xa8: {  	s5 =	sshll.u32 s28, $0x1;
	[dreg:$0x2] =	wrdreg s3  }
0xa9: {  	[dreg:$0x3] =	wrdreg s5  }
0xaa: {  	[dreg:$0x4] =	wrdreg $0xC0  }
0xab: {  	_ =	task [dreg:s7], $0x5FFFF  }
0xac: {  	[dreg:$0x1] =	wrdreg $0xFFFFFFFF  }
0xad: {  	[dreg:$0x0] =	wrdreg $0x60  }
0xae: {  	[dreg:$0x2] =	wrdreg s24  }
0xaf: {  	[dreg:$0x3] =	wrdreg s2  }
0xb0: {  	[dreg:$0x4] =	wrdreg $0xE0000  }
0xb1: {  	[dreg:$0x5] =	wrdreg $0x9  }
0xb2: {  	_ =	task.clear_ibuf [dreg:s7], $0x6FFFF;
	_ =	strace $0x90000049  }
0xb3: {  	s29 =	simm.s32 $0x9;
	_ =	strace $0x8000004B  }
0xb4: {  	_ =	swait.ge [sflag:s29], $0x1  }
0xb5: {  	[sflag:s29] =	ssyncadd.s32 $0xFFFFFFFF  }
0xb6: {  	_ =	strace $0x9000004B  }
0xb7: {  	_ =	sfence  }
0xb8: {  	s30 =	sld [smem:$0x0];
	_ =	sdelay $0x2  }
0xb9: {  	s31 =	sshll.u32 s1, $0xD;
	s1 =	sshrl.u32 s1, $0x2  }
0xba: {  	s3 =	sand.u32 $0x4000, s31;
	s1 =	sadd.s32 s1, s30  }
0xbb: {  	s0 =	sor.u32 s3, s0;
	s1 =	sshll.u32 s1, $0x11  }
0xbc: {  	s0 =	sor.u32 s1, s0  }
0xbd: {  	s0 =	sadd.s32 $0x8F2B, s0  }
0xbe: {  	[sflag:s0] =	ssyncadd.remote.s32 $0x1  }
0xbf: {  	_ =	sfence.sel $0xFFFF  }
0xc0: {  	[dreg:$0x0] =	wrdreg $0xFFFFFFFF;
	(pc) =	sbr.abs _section_cstart, $3  }
0xc1: {  	[dreg:$0x1] =	wrdreg $0xFFFFFFFF  }
0xc2: {  	_ =	task.clear_ibuf [dreg:s7], $0x2FFFF;
	_ =	strace $0x9FFFFFFF  }
0xc3: {  	(tm) =	ssettm $0x7FFFFFFF  }
tec
execute0_lowered:
.L_overlay_start_1:
0x0: {  	(tag) =	ssettag $0x1  }
0x1: {  	s0 =	rddreg [dreg:$0x0];
	s1 =	srdreg.scid  }
0x2: {  	s11 =	stileid.u32;
	s3 =	rddreg [dreg:$0x2];
	s4 =	simm.s32 $0x0  }
0x3: {  	s28 =	simm.s32 $0x80;
	s29 =	simm.s32 $0xC000;
	s2 =	smul.u32 $0x5000, s11  }
0x4: {  	s30 =	simm.s32 $0x1;
	s31 =	simm.s32 $0x2;
	s9 =	smul.u32 $0x28000, s11  }
0x5: {  	s1 =	sand.u32 $0x1, s1;
	[smem:$0x7FF] =	sst s4;
	s20 =	smul.u32 $0xA000, s11  }
0x6: {  	s5 =	smul.u32 $0x50000, s1;
	_ =	strace $0x8000004A;
	s7 =	ssub.s32 $0x2, s1  }
0x7: {  	s1 =	smul.u32 $0xA0000, s1;
	s8 =	sshrl.u32 s7, $0x1;
	s22 =	sshrl.u32 s9, $0x2  }
0x8: {  	s9 =	sadd.s32 s20, s3;
	s16 =	sadd.s32 $0x2000, s20;
	s18 =	sadd.s32 $0x4000, s20  }
0x9: {  	s21 =	sadd.s32 $0x6000, s20;
	s6 =	sadd.s32 s2, s5;
	s5 =	sadd.s32 $0x2B200, s0  }
0xa: {  	s2 =	sshrl.u32 s2, $0x3;
	s10 =	ssub.s32 s7, s8;
	s8 =	sadd.s32 s22, s3  }
0xb: {  	s23 =	sadd.s32 s1, s20;
	s17 =	sadd.s32 s1, s16;
	s16 =	sadd.s32 s16, s3  }
0xc: {  	s25 =	sadd.s32 s1, s18;
	s18 =	sadd.s32 s18, s3;
	s26 =	sadd.s32 s1, s21  }
0xd: {  	s22 =	sadd.s32 $0x8000, s20;
	s20 =	sadd.s32 s21, s3;
	s6 =	sshrl.u32 s6, $0x3  }
0xe: {  	s2 =	sadd.s32 s2, s0;
	s10 =	smax.u32 s10, $0x1;
	s11 =	sadd.s32 $0x2000, s8  }
0xf: {  	s12 =	sadd.s32 $0x4000, s8;
	s13 =	sadd.s32 $0x6000, s8;
	s14 =	sadd.s32 $0x8000, s8  }
0x10: {  	s24 =	sshrl.u32 s17, $0x3;
	s1 =	sadd.s32 s1, s22;
	s22 =	sadd.s32 s22, s3  }
0x11: {  	s6 =	sadd.s32 s6, s0;
	s0 =	sadd.s32 $0x52400, s0;
	s2 =	sadd.s32 $0xD200, s2  }
0x12: {  	s1 =	sshrl.u32 s1, $0x3;
	s6 =	sadd.s32 $0x17200, s6;
	[dreg:$0x5] =	wrdreg s2  }
0x13: {  	s2 =	sshrl.u32 s23, $0x3;
	s17 =	sadd.s32 s0, s24;
	s23 =	sadd.s32 s0, s1  }
0x14: {  	s24 =	simm.s32 $0x3;
	s15 =	sadd.s32 s0, s2;
	s2 =	sshrl.u32 s25, $0x3  }
0x15: {  	s1 =	simm.s32 $0x0;
	s19 =	sadd.s32 s0, s2;
	s2 =	sshrl.u32 s26, $0x3  }
0x16: {  	[dreg:$0x4] =	wrdreg s6;
	s26 =	simm.s32 $0xA000;
	s21 =	sadd.s32 s0, s2  }
.LBB2_1:
0x17: {  	s0 =	rddreg [dreg:$0x4]  }
0x18: {  	[tilespmem:s4], [sflag:$0x3] =	stream.linear.gather [hbm4b:s0+s4], $0x5000, $0x38;
	[tilespmem:$0x18000] =	vst v63  }
0x19: {  	_ =	swait.ge [sflag:s24], $0x5000  }
0x1a: {  	[sflag:s24] =	ssyncset.done $0x0  }
0x1b: {  	s2 =	simm.s32 $0x5000;
	s7 =	rddreg [dreg:$0x5];
	[sflag:s24] =	ssyncadd.s32 $0xFFFFB000  }
0x1c: {  	[tilespmem:s2], [sflag:$0x3] =	stream.linear.gather [hbm4b:s7+s4], $0x5000, $0x38;
	[tilespmem:$0x18000] =	vst v63  }
0x1d: {  	_ =	swait.ge [sflag:s24], $0x5000  }
0x1e: {  	[sflag:s24] =	ssyncset.done $0x0  }
0x1f: {  	[sflag:s24] =	ssyncadd.s32 $0xFFFFB000  }
0x20: {  	s25 =	rddreg [dreg:$0x1]  }
0x21: {  	[tilespmem:s26], [sflag:$0x3] =	stream.linear.gather [hbm4b:s25+s4], $0x2000, $0x38;
	[tilespmem:$0x18000] =	vst v63  }
0x22: {  	_ =	swait.ge [sflag:s24], $0x2000  }
0x23: {  	[sflag:s24] =	ssyncset.done $0x0  }
0x24: {  	[sflag:s24] =	ssyncadd.s32 $0xFFFFE000  }
0x25: {  	[spmem:s8] =	stream.linear.scatter [tilespmem:s26], [sflag:$0x3], $0x2000, $0x38;
	[tilespmem:$0x18000] =	vst v63  }
0x26: {  	_ =	swait.ge [sflag:s24], $0x2000  }
0x27: {  	[sflag:s24] =	ssyncset.done $0x0  }
0x28: {  	[sflag:s24] =	ssyncadd.s32 $0xFFFFE000  }
0x29: {  	[spmem:s11] =	stream.linear.scatter [tilespmem:s26], [sflag:$0x3], $0x2000, $0x38;
	[tilespmem:$0x18000] =	vst v63  }
0x2a: {  	_ =	swait.ge [sflag:s24], $0x2000  }
0x2b: {  	[sflag:s24] =	ssyncset.done $0x0  }
0x2c: {  	[sflag:s24] =	ssyncadd.s32 $0xFFFFE000  }
0x2d: {  	[spmem:s12] =	stream.linear.scatter [tilespmem:s26], [sflag:$0x3], $0x2000, $0x38;
	[tilespmem:$0x18000] =	vst v63  }
0x2e: {  	_ =	swait.ge [sflag:s24], $0x2000  }
0x2f: {  	[sflag:s24] =	ssyncset.done $0x0  }
0x30: {  	[sflag:s24] =	ssyncadd.s32 $0xFFFFE000  }
0x31: {  	[spmem:s13] =	stream.linear.scatter [tilespmem:s26], [sflag:$0x3], $0x2000, $0x38;
	[tilespmem:$0x18000] =	vst v63  }
0x32: {  	_ =	swait.ge [sflag:s24], $0x2000  }
0x33: {  	[sflag:s24] =	ssyncset.done $0x0  }
0x34: {  	[sflag:s24] =	ssyncadd.s32 $0xFFFFE000  }
0x35: {  	[spmem:s14] =	stream.linear.scatter [tilespmem:s26], [sflag:$0x3], $0x2000, $0x38;
	[tilespmem:$0x18000] =	vst v63  }
0x36: {  	_ =	swait.ge [sflag:s24], $0x2000  }
0x37: {  	[sflag:s24] =	ssyncset.done $0x0  }
0x38: {  	[sflag:s24] =	ssyncadd.s32 $0xFFFFE000  }
0x39: {  	s2 =	simm.s32 $0x0;
	[bflag:$0x0] =	sbarrier.arrive $0xFFFF  }
0x3a: {  	[tilespmem:s26], [sflag:$0x1] =	stream.indirect.gather [hbm4b:s5+s28], $0x40, s2, s28, $0xb8;
	[tilespmem:$0x18000] =	vst v63  }
0x3b: {  	s6 =	simm.s32 $0x80  }
0x3c: {  	[tilespmem:s29], [sflag:$0x2] =	stream.indirect.gather [hbm4b:s5+s28], $0x40, s6, s28, $0xb8;
	[tilespmem:$0x18000] =	vst v63  }
0x3d: {  	_ =	swait.ge [sflag:s30], $0x2000  }
0x3e: {  	[sflag:s30] =	ssyncset.done $0x0  }
0x3f: {  	s7 =	simm.s32 $0x5000;
	[sflag:s30] =	ssyncadd.s32 $0xFFFFE000  }
0x40: {  	[spmem:s3] =	stream.indirect.scatter.add.f32 [tilespmem:s26], [sflag:$0x3], $0x40, s7, s28, $0xb8;
	[tilespmem:$0x18000] =	vst v63  }
0x41: {  	_ =	swait.ge [sflag:s24], $0x2000  }
0x42: {  	[sflag:s24] =	ssyncset.done $0x0  }
0x43: {  	[sflag:s24] =	ssyncadd.s32 $0xFFFFE000  }
0x44: {  	_ =	swait.ge [sflag:s31], $0x2000  }
0x45: {  	[sflag:s31] =	ssyncset.done $0x0  }
0x46: {  	s25 =	simm.s32 $0x5080;
	[sflag:s31] =	ssyncadd.s32 $0xFFFFE000  }
0x47: {  	[spmem:s3] =	stream.indirect.scatter.add.f32 [tilespmem:s29], [sflag:$0x3], $0x40, s25, s28, $0xb8;
	[tilespmem:$0x18000] =	vst v63  }
0x48: {  	_ =	swait.ge [sflag:s24], $0x2000  }
0x49: {  	s0 =	simm.s32 $0x180;
	s2 =	simm.s32 $0xA00;
	[sflag:s24] =	ssyncset.done $0x0  }
.LBB2_2:
0x4a: {  	s25 =	sadd.s32 $0xFFFFFF80, s0  }
0x4b: {  	[sflag:s24] =	ssyncadd.s32 $0xFFFFE000;
	s6 =	smov.u32 s2;
	s7 =	sadd.s32 $0x400, s2  }
0x4c: {  	[tilespmem:s26], [sflag:$0x1] =	stream.indirect.gather [hbm4b:s5+s28], $0x40, s25, s28, $0xb8;
	[tilespmem:$0x18000] =	vst v63  }
0x4d: {  	p0 =	sne.s32 s2, $0x13E00  }
0x4e: {  	[tilespmem:s29], [sflag:$0x2] =	stream.indirect.gather [hbm4b:s5+s28], $0x40, s0, s28, $0xb8;
	[tilespmem:$0x18000] =	vst v63  }
0x4f: {  	_ =	swait.ge [sflag:s30], $0x2000  }
0x50: {  	[sflag:s30] =	ssyncset.done $0x0  }
0x51: {  	s2 =	sadd.s32 $0x4F80, s0;
	[sflag:s30] =	ssyncadd.s32 $0xFFFFE000  }
0x52: {  	[spmem:s3] =	stream.indirect.scatter.add.f32 [tilespmem:s26], [sflag:$0x3], $0x40, s2, s28, $0xb8;
	[tilespmem:$0x18000] =	vst v63  }
0x53: {  	_ =	swait.ge [sflag:s24], $0x2000  }
0x54: {  	[sflag:s24] =	ssyncset.done $0x0  }
0x55: {  	[sflag:s24] =	ssyncadd.s32 $0xFFFFE000  }
0x56: {  	_ =	swait.ge [sflag:s31], $0x2000  }
.Ltmp0:
0x57: {  	[sflag:s31] =	ssyncset.done $0x0;
	(pc) =	sbr.rel @p0 .LBB2_2-.Ltmp0, $4  }
0x58: {  	s0 =	sadd.s32 $0x5000, s0;
	[sflag:s31] =	ssyncadd.s32 $0xFFFFE000  }
0x59: {  	[spmem:s3] =	stream.indirect.scatter.add.f32 [tilespmem:s29], [sflag:$0x3], $0x40, s0, s28, $0xb8;
	[tilespmem:$0x18000] =	vst v63  }
0x5a: {  	_ =	swait.ge [sflag:s24], $0x2000  }
0x5b: {  	s2 =	smov.u32 s7;
	s0 =	sshra.s32 s6, $0x2;
	[sflag:s24] =	ssyncset.done $0x0  }
0x5c: {  	s2 =	sadd.s32 $0xFFFFFF80, s0;
	[sflag:s24] =	ssyncadd.s32 $0xFFFFE000  }
0x5d: {  	[tilespmem:s26], [sflag:$0x1] =	stream.indirect.gather [hbm4b:s5+s28], $0x40, s2, s28, $0xb8;
	[tilespmem:$0x18000] =	vst v63  }
0x5e: {  	_ = 	snop  }
0x5f: {  	[tilespmem:s29], [sflag:$0x2] =	stream.indirect.gather [hbm4b:s5+s28], $0x40, s0, s28, $0xb8;
	[tilespmem:$0x18000] =	vst v63  }
0x60: {  	_ =	swait.ge [sflag:s30], $0x2000  }
0x61: {  	[sflag:s30] =	ssyncset.done $0x0  }
0x62: {  	s7 =	sadd.s32 $0x4F80, s0;
	[sflag:s30] =	ssyncadd.s32 $0xFFFFE000  }
0x63: {  	[spmem:s3] =	stream.indirect.scatter.add.f32 [tilespmem:s26], [sflag:$0x3], $0x40, s7, s28, $0xb8;
	[tilespmem:$0x18000] =	vst v63  }
0x64: {  	_ =	swait.ge [sflag:s24], $0x2000  }
0x65: {  	[sflag:s24] =	ssyncset.done $0x0  }
0x66: {  	[sflag:s24] =	ssyncadd.s32 $0xFFFFE000  }
0x67: {  	_ =	swait.ge [sflag:s31], $0x2000  }
0x68: {  	[sflag:s31] =	ssyncset.done $0x0  }
0x69: {  	s25 =	sadd.s32 $0x5000, s0;
	[sflag:s31] =	ssyncadd.s32 $0xFFFFE000  }
0x6a: {  	[spmem:s3] =	stream.indirect.scatter.add.f32 [tilespmem:s29], [sflag:$0x3], $0x40, s25, s28, $0xb8;
	[tilespmem:$0x18000] =	vst v63  }
0x6b: {  	_ =	swait.ge [sflag:s24], $0x2000  }
0x6c: {  	[sflag:s24] =	ssyncset.done $0x0  }
0x6d: {  	[sflag:s24] =	ssyncadd.s32 $0xFFFFE000  }
0x6e: {  	[bflag:$0x0] =	sbarrier.arrive $0xFFFF  }
0x6f: {  	[tilespmem:s26], [sflag:$0x3] =	stream.linear.gather [spmem:s9], $0x2000, $0x38;
	[tilespmem:$0x18000] =	vst v63  }
0x70: {  	_ =	swait.ge [sflag:s24], $0x2000  }
0x71: {  	[sflag:s24] =	ssyncset.done $0x0  }
0x72: {  	[sflag:s24] =	ssyncadd.s32 $0xFFFFE000  }
0x73: {  	[hbm4b:s15+s4] =	stream.linear.scatter [tilespmem:s26], [sflag:$0x3], $0x2000, $0x38;
	[tilespmem:$0x18000] =	vst v63  }
0x74: {  	_ =	swait.ge [sflag:s24], $0x2000  }
0x75: {  	[sflag:s24] =	ssyncset.done $0x0  }
0x76: {  	[sflag:s24] =	ssyncadd.s32 $0xFFFFE000  }
0x77: {  	[tilespmem:s26], [sflag:$0x3] =	stream.linear.gather [spmem:s16], $0x2000, $0x38;
	[tilespmem:$0x18000] =	vst v63  }
0x78: {  	_ =	swait.ge [sflag:s24], $0x2000  }
0x79: {  	[sflag:s24] =	ssyncset.done $0x0  }
0x7a: {  	[sflag:s24] =	ssyncadd.s32 $0xFFFFE000  }
0x7b: {  	[hbm4b:s17+s4] =	stream.linear.scatter [tilespmem:s26], [sflag:$0x3], $0x2000, $0x38;
	[tilespmem:$0x18000] =	vst v63  }
0x7c: {  	_ =	swait.ge [sflag:s24], $0x2000  }
0x7d: {  	[sflag:s24] =	ssyncset.done $0x0  }
0x7e: {  	[sflag:s24] =	ssyncadd.s32 $0xFFFFE000  }
0x7f: {  	[tilespmem:s26], [sflag:$0x3] =	stream.linear.gather [spmem:s18], $0x2000, $0x38;
	[tilespmem:$0x18000] =	vst v63  }
0x80: {  	_ =	swait.ge [sflag:s24], $0x2000  }
0x81: {  	[sflag:s24] =	ssyncset.done $0x0  }
0x82: {  	[sflag:s24] =	ssyncadd.s32 $0xFFFFE000  }
0x83: {  	[hbm4b:s19+s4] =	stream.linear.scatter [tilespmem:s26], [sflag:$0x3], $0x2000, $0x38;
	[tilespmem:$0x18000] =	vst v63  }
0x84: {  	_ =	swait.ge [sflag:s24], $0x2000  }
0x85: {  	[sflag:s24] =	ssyncset.done $0x0  }
0x86: {  	[sflag:s24] =	ssyncadd.s32 $0xFFFFE000  }
0x87: {  	[tilespmem:s26], [sflag:$0x3] =	stream.linear.gather [spmem:s20], $0x2000, $0x38;
	[tilespmem:$0x18000] =	vst v63  }
0x88: {  	_ =	swait.ge [sflag:s24], $0x2000  }
0x89: {  	[sflag:s24] =	ssyncset.done $0x0  }
0x8a: {  	[sflag:s24] =	ssyncadd.s32 $0xFFFFE000  }
0x8b: {  	[hbm4b:s21+s4] =	stream.linear.scatter [tilespmem:s26], [sflag:$0x3], $0x2000, $0x38;
	[tilespmem:$0x18000] =	vst v63  }
0x8c: {  	_ =	swait.ge [sflag:s24], $0x2000  }
0x8d: {  	[sflag:s24] =	ssyncset.done $0x0  }
0x8e: {  	[sflag:s24] =	ssyncadd.s32 $0xFFFFE000  }
0x8f: {  	[tilespmem:s26], [sflag:$0x3] =	stream.linear.gather [spmem:s22], $0x2000, $0x38;
	[tilespmem:$0x18000] =	vst v63  }
0x90: {  	s1 =	sadd.s32 $0x1, s1;
	_ =	swait.ge [sflag:s24], $0x2000  }
0x91: {  	p0 =	sne.s32 s1, s10;
	[sflag:s24] =	ssyncset.done $0x0  }
.Ltmp1:
0x92: {  	[sflag:s24] =	ssyncadd.s32 $0xFFFFE000;
	(pc) =	sbr.rel @p0 .LBB2_1-.Ltmp1, $4  }
0x93: {  	[hbm4b:s23+s4] =	stream.linear.scatter [tilespmem:s26], [sflag:$0x3], $0x2000, $0x38;
	[tilespmem:$0x18000] =	vst v63  }
0x94: {  	_ =	swait.ge [sflag:s24], $0x2000  }
0x95: {  	[sflag:s24] =	ssyncset.done $0x0  }
0x96: {  	[sflag:s24] =	ssyncadd.s32 $0xFFFFE000  }
0x97: {  	_ =	sfence.sel $0x180000  }
0x98: {  	[bflag:$0x0] =	sbarrier.arrive $0xFFFF  }
0x99: {  	_ =	strace $0x9000004A  }
0x9a: {  	s0 =	stileid.u32;
	[bflag:$0x2] =	sbarrier.arrive $0xFFFF  }
0x9b: {  	p0 =	sne.s32 s0, $0x0;
	s0 =	rddreg [dreg:$0x3]  }
0x9c: {  	s0 =	sadd.s32 @!p0 $0x100000, s0  }
0x9d: {  	[sflag:s0] =	ssyncadd.tile.s32 @!p0 $0x1;
	_ =	shalt  }
.Lfunc_end2:
_tile_overlayer_lowered:
.L_overlay_start_2:
0x9e: {  	(tag) =	ssettag $0x2  }
0x9f: {  	s0 =	rddreg [dreg:$0x0];
	s2 =	stileid.u32  }
0xa0: {  	s1 =	rddreg [dreg:$0x1];
	p0 =	sne.s32 s2, $0x0  }
0xa1: {  	s3 =	rddreg [dreg:$0x2];
	[bflag:$0x3] =	sbarrier.arrive $0xFFFF;
	s2 =	simm.s32 @!p0 $0x1C03  }
0xa2: {  	[timem:s3], [sflag:s2] =	dma.local @!p0 [hbm:s0], s1  }
0xa3: {  	s0 =	simm.s32 @!p0 $0x3  }
0xa4: {  	_ =	swait.ge @!p0 [sflag:s0], s1  }
0xa5: {  	s1 =	ssub.s32 @!p0 $0x0, s1;
	[sflag:s0] =	ssyncset.done @!p0 $0x0  }
0xa6: {  	[sflag:s0] =	ssyncadd.s32 @!p0 s1  }
0xa7: {  	[bflag:$0x3] =	sbarrier.arrive $0xFFFF  }
0xa8: {  	_ =	shalt  }

// kernel: kernel.14.cloned.1.call-start
scs
__scs_entry_jumppad:
0x0: {  	(pc) =	sbr.rel $0x88, $3  }
0x1: {  	(tag) =	ssettag $0x0;
	lr =	simm.s32 $0x1  }
0x2: {  	[smem:$0x3F99] =	sst lr;
	_ =	strace $0xD0000000  }
0x3: {  	_ = 	snop  }
0x4: {  	_ = 	snop  }
0x5: {  	_ = 	snop  }
0x6: {  	_ = 	snop  }
0x7: {  	_ = 	snop  }
__scs_overlays_trampoline_lowered:
0x8: {  	[smem:$0x3FA8] =	sst s0  }
0x9: {  	[smem:$0x3FA9] =	sst s1  }
0xa: {  	[smem:$0x3FAA] =	sst s2  }
0xb: {  	[smem:$0x3FAB] =	sst s3  }
0xc: {  	[smem:$0x3FAC] =	sst s4  }
0xd: {  	[smem:$0x3FAD] =	sst s5  }
0xe: {  	[smem:$0x3FAE] =	sst s6  }
0xf: {  	[smem:$0x3FAF] =	sst s7  }
0x10: {  	[smem:$0x3FB0] =	sst s8  }
0x11: {  	[smem:$0x3FB1] =	sst s9;
	s0 =	simm.s32 @!p0 $0x0  }
0x12: {  	s1 =	sld [smem:$0x3F97];
	s0 =	simm.s32 @p0 $0x1  }
0x13: {  	[smem:$0x3FB2] =	sst s0;
	s0 =	simm.s32 @!p1 $0x0  }
0x14: {  	s2 =	sld [smem:$0x3F96];
	s0 =	simm.s32 @p1 $0x1  }
0x15: {  	[smem:$0x3FB3] =	sst s0;
	s0 =	simm.s32 @!p2 $0x0  }
0x16: {  	s3 =	sld [smem:$0x3FDB];
	s0 =	simm.s32 @p2 $0x1  }
0x17: {  	s4 =	simm.s32 $0x1BF5;
	[smem:$0x3FB5] =	sst s0  }
0x18: {  	s0 =	sld [smem:$0x3F98];
	_ =	swait.ge [sflag:s4], $0x0  }
0x19: {  	s7 =	sld [smem:$0x3F99]  }
0x1a: {  	s8 =	sadd.s32 $0xFFFFE003, lr  }
0x1b: {  	s9 =	sadd.s32 $0xFFFFFEF7, lr;
	s5 =	simm.s32 $0xFFFFFFFF;
	p2 =	slt.u32 s8, $0xFFFFF086  }
0x1c: {  	p1 =	slt.u32 s9, $0xF7A;
	s5 =	simm.s32 @!p2 $0x0  }
0x1d: {  	s5 =	simm.s32 @p1 $0x1;
	p0 =	seq.s32 s7, s2  }
0x1e: {  	s7 =	smul.u32 @!p0 $0xF7A, s2;
	p2 =	seq.s32 @!p0 s5, $0x0  }
0x1f: {  	s9 =	smul.u32 $0xF7A, s1;
	s8 =	simm.s32 @!p0 $0x1BF5;
	p2 =	por !p2, p0  }
0x20: {  	[sflag:s8] =	ssyncset.s32 @!p0 $0xFFFFF086;
	s6 =	sadd.s32 @!p0 s3, s7;
	s7 =	simm.s32 @!p0 $0x108  }
0x21: {  	s3 =	sadd.s32 s3, s9;
	s6 =	sadd.s32 @!p0 $0x88, s6;
	s7 =	simm.s32 @p2 $0x1082  }
0x22: {  	[simem:s7], [sflag:s8] =	dma.local @!p0 [hbm:s6], $0xF7A  }
0x23: {  	s9 =	sor.u32 $0xD0000000, s2;
	s6 =	simm.s32 $0x108;
	_ =	swait.ge @!p0 [sflag:s8], $0x0  }
0x24: {  	s3 =	sadd.s32 $0x88, s3;
	s6 =	simm.s32 @!p1 $0x1082;
	[sflag:s4] =	ssyncset.s32 $0xFFFFF086  }
0x25: {  	[simem:s6], [sflag:s4] =	dma.local [hbm:s3], $0xF7A  }
0x26: {  	[smem:$0x3F99] =	sst s1;
	(tag) =	ssettag s2;
	_ =	strace s9  }
0x27: {  	s1 =	sld [smem:$0x3FA9]  }
0x28: {  	s2 =	sld [smem:$0x3FAA]  }
0x29: {  	s4 =	sld [smem:$0x3FAC]  }
0x2a: {  	p0 =	seq.s32 s5, $0x0;
	s5 =	sld [smem:$0x3FAD]  }
0x2b: {  	s6 =	sld [smem:$0x3FAE]  }
0x2c: {  	s7 =	sld [smem:$0x3FAF]  }
0x2d: {  	s3 =	simm.s32 $0x108;
	s8 =	sld [smem:$0x3FB0]  }
0x2e: {  	s3 =	simm.s32 @!p0 $0x1082;
	s9 =	sld [smem:$0x3FB1]  }
0x2f: {  	lr =	sadd.s32 s0, s3;
	s0 =	sld [smem:$0x3FA8]  }
0x30: {  	s3 =	sld [smem:$0x3FAB]  }
0x31: {  	[smem:$0x3FB4] =	sst s10  }
0x32: {  	s10 =	sld [smem:$0x3FB2];
	_ =	sdelay $0x3  }
0x33: {  	p0 =	seq.s32 s10, $0x1;
	s10 =	sld [smem:$0x3FB4];
	_ =	sdelay $0x3  }
0x34: {  	[smem:$0x3FB4] =	sst s10  }
0x35: {  	s10 =	sld [smem:$0x3FB3];
	_ =	sdelay $0x3  }
0x36: {  	p1 =	seq.s32 s10, $0x1;
	s10 =	sld [smem:$0x3FB4];
	_ =	sdelay $0x3  }
0x37: {  	[smem:$0x3FB4] =	sst s10  }
0x38: {  	s10 =	sld [smem:$0x3FB5]  }
0x39: {  	_ = 	snop;
	(pc) =	sbr.ind lr, $3  }
0x3a: {  	_ = 	snop  }
0x3b: {  	_ = 	snop  }
0x3c: {  	p2 =	seq.s32 s10, $0x1;
	s10 =	sld [smem:$0x3FB4]  }
0x3d: {  	_ =	shalt  }
0x3e: {  	_ =	shalt  }
0x3f: {  	_ =	shalt  }
0x40: {  	_ =	shalt  }
0x41: {  	_ =	shalt  }
0x42: {  	_ =	shalt  }
0x43: {  	_ =	shalt  }
0x44: {  	_ =	shalt  }
0x45: {  	_ =	shalt  }
0x46: {  	_ =	shalt  }
0x47: {  	_ =	shalt  }
0x48: {  	_ =	shalt  }
0x49: {  	_ =	shalt  }
0x4a: {  	_ =	shalt  }
0x4b: {  	_ =	shalt  }
0x4c: {  	_ =	shalt  }
0x4d: {  	_ =	shalt  }
0x4e: {  	_ =	shalt  }
0x4f: {  	_ =	shalt  }
0x50: {  	_ =	shalt  }
0x51: {  	_ =	shalt  }
0x52: {  	_ =	shalt  }
0x53: {  	_ =	shalt  }
0x54: {  	_ =	shalt  }
0x55: {  	_ =	shalt  }
0x56: {  	_ =	shalt  }
0x57: {  	_ =	shalt  }
0x58: {  	_ =	shalt  }
0x59: {  	_ =	shalt  }
0x5a: {  	_ =	shalt  }
0x5b: {  	_ =	shalt  }
0x5c: {  	_ =	shalt  }
0x5d: {  	_ =	shalt  }
0x5e: {  	_ =	shalt  }
0x5f: {  	_ =	shalt  }
0x60: {  	_ =	shalt  }
0x61: {  	_ =	shalt  }
0x62: {  	_ =	shalt  }
0x63: {  	_ =	shalt  }
0x64: {  	_ =	shalt  }
0x65: {  	_ =	shalt  }
0x66: {  	_ =	shalt  }
0x67: {  	_ =	shalt  }
0x68: {  	_ =	shalt  }
0x69: {  	_ =	shalt  }
0x6a: {  	_ =	shalt  }
0x6b: {  	_ =	shalt  }
0x6c: {  	_ =	shalt  }
0x6d: {  	_ =	shalt  }
0x6e: {  	_ =	shalt  }
0x6f: {  	_ =	shalt  }
0x70: {  	_ =	shalt  }
0x71: {  	_ =	shalt  }
0x72: {  	_ =	shalt  }
0x73: {  	_ =	shalt  }
0x74: {  	_ =	shalt  }
0x75: {  	_ =	shalt  }
0x76: {  	_ =	shalt  }
0x77: {  	_ =	shalt  }
0x78: {  	_ =	shalt  }
0x79: {  	_ =	shalt  }
0x7a: {  	_ =	shalt  }
0x7b: {  	_ =	shalt  }
0x7c: {  	_ =	shalt  }
0x7d: {  	_ =	shalt  }
0x7e: {  	_ =	shalt  }
0x7f: {  	_ =	shalt  }
0x80: {  	_ =	shalt  }
0x81: {  	_ =	shalt  }
0x82: {  	_ =	shalt  }
0x83: {  	_ =	shalt  }
0x84: {  	_ =	shalt  }
0x85: {  	_ =	shalt  }
0x86: {  	_ =	shalt  }
0x87: {  	_ =	shalt  }
.Lfunc_end0:
.L_simem_size_0:
called_computation.2_lowered:
.L_overlay_start_0:
0x88: {  	s2 =	sld [smem:$0x3FD9]  }
0x89: {  	s3 =	sld [smem:$0x3FFE];
	_ =	sdelay $0x1  }
0x8a: {  	s1 =	srdreg.scid  }
0x8b: {  	s0 =	sand.u32 $0x1, s1  }
0x8c: {  	s17 =	sshll.u32 s0, $0xA;
	s2 =	sadd.s32 s3, s2  }
0x8d: {  	s2 =	sadd.s32 s2, s17  }
0x8e: {  	[smem:$0x3FC0] =	sst s2  }
0x8f: {  	_ = 	snop  }
0x90: {  	s2 =	sld [smem:$0x3FD0];
	(tm) =	ssettm $0x1  }
0x91: {  	s18 =	sld [smem:$0x3FFB];
	_ =	sdelay $0x3  }
0x92: {  	_ =	strace s18  }
0x93: {  	s3 =	sld [smem:$0x3FFC];
	_ =	sdelay $0x3  }
0x94: {  	_ =	strace s3  }
0x95: {  	s3 =	sld [smem:$0x3FFD];
	_ =	sdelay $0x3  }
0x96: {  	_ =	strace s3  }
0x97: {  	_ =	strace $0x8FFFFFFF  }
0x98: {  	s19 =	sld [smem:$0x3FDB];
	_ =	sdelay $0x1  }
0x99: {  	s4 =	simm.s32 $_scs_section_size  }
0x9a: {  	s5 =	simm.s32 $_size__tile_overlayer_lowered;
	s6 =	simm.s32 $_tile_overlayer_lowered  }
0x9b: {  	s22 =	simm.s32 $0x1BFF;
	s21 =	sshll.u32 s6, $0x1;
	s3 =	sadd.s32 s4, s19  }
0x9c: {  	s7 =	simm.s32 $0x0;
	s20 =	sshll.u32 s5, $0x1;
	s5 =	sadd.s32 s21, s3  }
0x9d: {  	[timem:s7], [sflag:s22] =	dma.local [hbm:s5], s20  }
0x9e: {  	_ =	swait.ge [sflag:s22], s20  }
0x9f: {  	s4 =	ssub.s32 $0x0, s20;
	[sflag:s22] =	ssyncset.done $0x0  }
0xa0: {  	[sflag:s22] =	ssyncadd.s32 s4;
	_ =	sdelay $0x1  }
0xa1: {  	s23 =	simm.s32 $0x1B8B  }
0xa2: {  	_ =	swait.ge [sflag:s23], $0x1  }
0xa3: {  	[sflag:s23] =	ssyncset.done $0x0  }
0xa4: {  	s25 =	simm.s32 $0x1B8E;
	s24 =	sld [smem:$0x3FFE];
	[sflag:s23] =	ssyncadd.s32 $0xFFFFFFFF  }
0xa5: {  	s26 =	simm.s32 $execute0_lowered;
	[smem:$0x3FD2] =	sst s25  }
0xa6: {  	s5 =	sshll.u32 s26, $0x1;
	_ =	strace $0x8000004C;
	[dreg:$0x1] =	wrdreg $0xFFFFFFFF  }
0xa7: {  	s28 =	simm.s32 $_size_execute0_lowered;
	s3 =	sadd.s32 s3, s5;
	[dreg:$0x0] =	wrdreg $0x0  }
0xa8: {  	s5 =	sshll.u32 s28, $0x1;
	[dreg:$0x2] =	wrdreg s3  }
0xa9: {  	[dreg:$0x3] =	wrdreg s5  }
0xaa: {  	[dreg:$0x4] =	wrdreg $0xC0  }
0xab: {  	_ =	task [dreg:s7], $0x5FFFF  }
0xac: {  	[dreg:$0x1] =	wrdreg $0xFFFFFFFF  }
0xad: {  	[dreg:$0x0] =	wrdreg $0x60  }
0xae: {  	[dreg:$0x2] =	wrdreg s24  }
0xaf: {  	[dreg:$0x3] =	wrdreg s2  }
0xb0: {  	[dreg:$0x4] =	wrdreg $0xE0000  }
0xb1: {  	[dreg:$0x5] =	wrdreg $0x9  }
0xb2: {  	_ =	task.clear_ibuf [dreg:s7], $0x6FFFF;
	_ =	strace $0x9000004C  }
0xb3: {  	s29 =	simm.s32 $0x9;
	_ =	strace $0x8000004E  }
0xb4: {  	_ =	swait.ge [sflag:s29], $0x1  }
0xb5: {  	[sflag:s29] =	ssyncadd.s32 $0xFFFFFFFF  }
0xb6: {  	_ =	strace $0x9000004E  }
0xb7: {  	_ =	sfence  }
0xb8: {  	s30 =	sld [smem:$0x0];
	_ =	sdelay $0x2  }
0xb9: {  	s31 =	sshll.u32 s1, $0xD;
	s1 =	sshrl.u32 s1, $0x2  }
0xba: {  	s3 =	sand.u32 $0x4000, s31;
	s1 =	sadd.s32 s1, s30  }
0xbb: {  	s0 =	sor.u32 s3, s0;
	s1 =	sshll.u32 s1, $0x11  }
0xbc: {  	s0 =	sor.u32 s1, s0  }
0xbd: {  	s0 =	sadd.s32 $0x8F2B, s0  }
0xbe: {  	[sflag:s0] =	ssyncadd.remote.s32 $0x1  }
0xbf: {  	_ =	sfence.sel $0xFFFF  }
0xc0: {  	[dreg:$0x0] =	wrdreg $0xFFFFFFFF;
	(pc) =	sbr.abs _section_cstart, $3  }
0xc1: {  	[dreg:$0x1] =	wrdreg $0xFFFFFFFF  }
0xc2: {  	_ =	task.clear_ibuf [dreg:s7], $0x2FFFF;
	_ =	strace $0x9FFFFFFF  }
0xc3: {  	(tm) =	ssettm $0x7FFFFFFF  }
tec
execute0_lowered:
.L_overlay_start_1:
0x0: {  	(tag) =	ssettag $0x1  }
0x1: {  	s0 =	rddreg [dreg:$0x0];
	s1 =	srdreg.scid  }
0x2: {  	s11 =	stileid.u32;
	s3 =	rddreg [dreg:$0x2];
	s4 =	simm.s32 $0x0  }
0x3: {  	s28 =	simm.s32 $0x80;
	s29 =	simm.s32 $0xC000;
	s2 =	smul.u32 $0x5000, s11  }
0x4: {  	s30 =	simm.s32 $0x1;
	s31 =	simm.s32 $0x2;
	s9 =	smul.u32 $0x28000, s11  }
0x5: {  	s1 =	sand.u32 $0x1, s1;
	[smem:$0x7FF] =	sst s4;
	s20 =	smul.u32 $0xA000, s11  }
0x6: {  	s5 =	smul.u32 $0x50000, s1;
	_ =	strace $0x8000004D;
	s7 =	ssub.s32 $0x2, s1  }
0x7: {  	s1 =	smul.u32 $0xA0000, s1;
	s8 =	sshrl.u32 s7, $0x1;
	s22 =	sshrl.u32 s9, $0x2  }
0x8: {  	s9 =	sadd.s32 s20, s3;
	s16 =	sadd.s32 $0x2000, s20;
	s18 =	sadd.s32 $0x4000, s20  }
0x9: {  	s21 =	sadd.s32 $0x6000, s20;
	s6 =	sadd.s32 s2, s5;
	s5 =	sadd.s32 $0x2B200, s0  }
0xa: {  	s2 =	sshrl.u32 s2, $0x3;
	s10 =	ssub.s32 s7, s8;
	s8 =	sadd.s32 s22, s3  }
0xb: {  	s23 =	sadd.s32 s1, s20;
	s17 =	sadd.s32 s1, s16;
	s16 =	sadd.s32 s16, s3  }
0xc: {  	s25 =	sadd.s32 s1, s18;
	s18 =	sadd.s32 s18, s3;
	s26 =	sadd.s32 s1, s21  }
0xd: {  	s22 =	sadd.s32 $0x8000, s20;
	s20 =	sadd.s32 s21, s3;
	s6 =	sshrl.u32 s6, $0x3  }
0xe: {  	s2 =	sadd.s32 s2, s0;
	s10 =	smax.u32 s10, $0x1;
	s11 =	sadd.s32 $0x2000, s8  }
0xf: {  	s12 =	sadd.s32 $0x4000, s8;
	s13 =	sadd.s32 $0x6000, s8;
	s14 =	sadd.s32 $0x8000, s8  }
0x10: {  	s24 =	sshrl.u32 s17, $0x3;
	s1 =	sadd.s32 s1, s22;
	s22 =	sadd.s32 s22, s3  }
0x11: {  	s6 =	sadd.s32 s6, s0;
	s0 =	sadd.s32 $0x52400, s0;
	s2 =	sadd.s32 $0xD200, s2  }
0x12: {  	s1 =	sshrl.u32 s1, $0x3;
	s6 =	sadd.s32 $0x17200, s6;
	[dreg:$0x5] =	wrdreg s2  }
0x13: {  	s2 =	sshrl.u32 s23, $0x3;
	s17 =	sadd.s32 s0, s24;
	s23 =	sadd.s32 s0, s1  }
0x14: {  	s24 =	simm.s32 $0x3;
	s15 =	sadd.s32 s0, s2;
	s2 =	sshrl.u32 s25, $0x3  }
0x15: {  	s1 =	simm.s32 $0x0;
	s19 =	sadd.s32 s0, s2;
	s2 =	sshrl.u32 s26, $0x3  }
0x16: {  	[dreg:$0x4] =	wrdreg s6;
	s26 =	simm.s32 $0xA000;
	s21 =	sadd.s32 s0, s2  }
.LBB2_1:
0x17: {  	s0 =	rddreg [dreg:$0x4]  }
0x18: {  	[tilespmem:s4], [sflag:$0x3] =	stream.linear.gather [hbm4b:s0+s4], $0x5000, $0x38;
	[tilespmem:$0x18000] =	vst v63  }
0x19: {  	_ =	swait.ge [sflag:s24], $0x5000  }
0x1a: {  	[sflag:s24] =	ssyncset.done $0x0  }
0x1b: {  	s2 =	simm.s32 $0x5000;
	s7 =	rddreg [dreg:$0x5];
	[sflag:s24] =	ssyncadd.s32 $0xFFFFB000  }
0x1c: {  	[tilespmem:s2], [sflag:$0x3] =	stream.linear.gather [hbm4b:s7+s4], $0x5000, $0x38;
	[tilespmem:$0x18000] =	vst v63  }
0x1d: {  	_ =	swait.ge [sflag:s24], $0x5000  }
0x1e: {  	[sflag:s24] =	ssyncset.done $0x0  }
0x1f: {  	[sflag:s24] =	ssyncadd.s32 $0xFFFFB000  }
0x20: {  	s25 =	rddreg [dreg:$0x1]  }
0x21: {  	[tilespmem:s26], [sflag:$0x3] =	stream.linear.gather [hbm4b:s25+s4], $0x2000, $0x38;
	[tilespmem:$0x18000] =	vst v63  }
0x22: {  	_ =	swait.ge [sflag:s24], $0x2000  }
0x23: {  	[sflag:s24] =	ssyncset.done $0x0  }
0x24: {  	[sflag:s24] =	ssyncadd.s32 $0xFFFFE000  }
0x25: {  	[spmem:s8] =	stream.linear.scatter [tilespmem:s26], [sflag:$0x3], $0x2000, $0x38;
	[tilespmem:$0x18000] =	vst v63  }
0x26: {  	_ =	swait.ge [sflag:s24], $0x2000  }
0x27: {  	[sflag:s24] =	ssyncset.done $0x0  }
0x28: {  	[sflag:s24] =	ssyncadd.s32 $0xFFFFE000  }
0x29: {  	[spmem:s11] =	stream.linear.scatter [tilespmem:s26], [sflag:$0x3], $0x2000, $0x38;
	[tilespmem:$0x18000] =	vst v63  }
0x2a: {  	_ =	swait.ge [sflag:s24], $0x2000  }
0x2b: {  	[sflag:s24] =	ssyncset.done $0x0  }
0x2c: {  	[sflag:s24] =	ssyncadd.s32 $0xFFFFE000  }
0x2d: {  	[spmem:s12] =	stream.linear.scatter [tilespmem:s26], [sflag:$0x3], $0x2000, $0x38;
	[tilespmem:$0x18000] =	vst v63  }
0x2e: {  	_ =	swait.ge [sflag:s24], $0x2000  }
0x2f: {  	[sflag:s24] =	ssyncset.done $0x0  }
0x30: {  	[sflag:s24] =	ssyncadd.s32 $0xFFFFE000  }
0x31: {  	[spmem:s13] =	stream.linear.scatter [tilespmem:s26], [sflag:$0x3], $0x2000, $0x38;
	[tilespmem:$0x18000] =	vst v63  }
0x32: {  	_ =	swait.ge [sflag:s24], $0x2000  }
0x33: {  	[sflag:s24] =	ssyncset.done $0x0  }
0x34: {  	[sflag:s24] =	ssyncadd.s32 $0xFFFFE000  }
0x35: {  	[spmem:s14] =	stream.linear.scatter [tilespmem:s26], [sflag:$0x3], $0x2000, $0x38;
	[tilespmem:$0x18000] =	vst v63  }
0x36: {  	_ =	swait.ge [sflag:s24], $0x2000  }
0x37: {  	[sflag:s24] =	ssyncset.done $0x0  }
0x38: {  	[sflag:s24] =	ssyncadd.s32 $0xFFFFE000  }
0x39: {  	s2 =	simm.s32 $0x0;
	[bflag:$0x0] =	sbarrier.arrive $0xFFFF  }
0x3a: {  	[tilespmem:s26], [sflag:$0x1] =	stream.indirect.gather [hbm4b:s5+s28], $0x40, s2, s28, $0xb8;
	[tilespmem:$0x18000] =	vst v63  }
0x3b: {  	s6 =	simm.s32 $0x80  }
0x3c: {  	[tilespmem:s29], [sflag:$0x2] =	stream.indirect.gather [hbm4b:s5+s28], $0x40, s6, s28, $0xb8;
	[tilespmem:$0x18000] =	vst v63  }
0x3d: {  	_ =	swait.ge [sflag:s30], $0x2000  }
0x3e: {  	[sflag:s30] =	ssyncset.done $0x0  }
0x3f: {  	s7 =	simm.s32 $0x5000;
	[sflag:s30] =	ssyncadd.s32 $0xFFFFE000  }
0x40: {  	[spmem:s3] =	stream.indirect.scatter.add.f32 [tilespmem:s26], [sflag:$0x3], $0x40, s7, s28, $0xb8;
	[tilespmem:$0x18000] =	vst v63  }
0x41: {  	_ =	swait.ge [sflag:s24], $0x2000  }
0x42: {  	[sflag:s24] =	ssyncset.done $0x0  }
0x43: {  	[sflag:s24] =	ssyncadd.s32 $0xFFFFE000  }
0x44: {  	_ =	swait.ge [sflag:s31], $0x2000  }
0x45: {  	[sflag:s31] =	ssyncset.done $0x0  }
0x46: {  	s25 =	simm.s32 $0x5080;
	[sflag:s31] =	ssyncadd.s32 $0xFFFFE000  }
0x47: {  	[spmem:s3] =	stream.indirect.scatter.add.f32 [tilespmem:s29], [sflag:$0x3], $0x40, s25, s28, $0xb8;
	[tilespmem:$0x18000] =	vst v63  }
0x48: {  	_ =	swait.ge [sflag:s24], $0x2000  }
0x49: {  	s0 =	simm.s32 $0x180;
	s2 =	simm.s32 $0xA00;
	[sflag:s24] =	ssyncset.done $0x0  }
.LBB2_2:
0x4a: {  	s25 =	sadd.s32 $0xFFFFFF80, s0  }
0x4b: {  	[sflag:s24] =	ssyncadd.s32 $0xFFFFE000;
	s6 =	smov.u32 s2;
	s7 =	sadd.s32 $0x400, s2  }
0x4c: {  	[tilespmem:s26], [sflag:$0x1] =	stream.indirect.gather [hbm4b:s5+s28], $0x40, s25, s28, $0xb8;
	[tilespmem:$0x18000] =	vst v63  }
0x4d: {  	p0 =	sne.s32 s2, $0x13E00  }
0x4e: {  	[tilespmem:s29], [sflag:$0x2] =	stream.indirect.gather [hbm4b:s5+s28], $0x40, s0, s28, $0xb8;
	[tilespmem:$0x18000] =	vst v63  }
0x4f: {  	_ =	swait.ge [sflag:s30], $0x2000  }
0x50: {  	[sflag:s30] =	ssyncset.done $0x0  }
0x51: {  	s2 =	sadd.s32 $0x4F80, s0;
	[sflag:s30] =	ssyncadd.s32 $0xFFFFE000  }
0x52: {  	[spmem:s3] =	stream.indirect.scatter.add.f32 [tilespmem:s26], [sflag:$0x3], $0x40, s2, s28, $0xb8;
	[tilespmem:$0x18000] =	vst v63  }
0x53: {  	_ =	swait.ge [sflag:s24], $0x2000  }
0x54: {  	[sflag:s24] =	ssyncset.done $0x0  }
0x55: {  	[sflag:s24] =	ssyncadd.s32 $0xFFFFE000  }
0x56: {  	_ =	swait.ge [sflag:s31], $0x2000  }
.Ltmp0:
0x57: {  	[sflag:s31] =	ssyncset.done $0x0;
	(pc) =	sbr.rel @p0 .LBB2_2-.Ltmp0, $4  }
0x58: {  	s0 =	sadd.s32 $0x5000, s0;
	[sflag:s31] =	ssyncadd.s32 $0xFFFFE000  }
0x59: {  	[spmem:s3] =	stream.indirect.scatter.add.f32 [tilespmem:s29], [sflag:$0x3], $0x40, s0, s28, $0xb8;
	[tilespmem:$0x18000] =	vst v63  }
0x5a: {  	_ =	swait.ge [sflag:s24], $0x2000  }
0x5b: {  	s2 =	smov.u32 s7;
	s0 =	sshra.s32 s6, $0x2;
	[sflag:s24] =	ssyncset.done $0x0  }
0x5c: {  	s2 =	sadd.s32 $0xFFFFFF80, s0;
	[sflag:s24] =	ssyncadd.s32 $0xFFFFE000  }
0x5d: {  	[tilespmem:s26], [sflag:$0x1] =	stream.indirect.gather [hbm4b:s5+s28], $0x40, s2, s28, $0xb8;
	[tilespmem:$0x18000] =	vst v63  }
0x5e: {  	_ = 	snop  }
0x5f: {  	[tilespmem:s29], [sflag:$0x2] =	stream.indirect.gather [hbm4b:s5+s28], $0x40, s0, s28, $0xb8;
	[tilespmem:$0x18000] =	vst v63  }
0x60: {  	_ =	swait.ge [sflag:s30], $0x2000  }
0x61: {  	[sflag:s30] =	ssyncset.done $0x0  }
0x62: {  	s7 =	sadd.s32 $0x4F80, s0;
	[sflag:s30] =	ssyncadd.s32 $0xFFFFE000  }
0x63: {  	[spmem:s3] =	stream.indirect.scatter.add.f32 [tilespmem:s26], [sflag:$0x3], $0x40, s7, s28, $0xb8;
	[tilespmem:$0x18000] =	vst v63  }
0x64: {  	_ =	swait.ge [sflag:s24], $0x2000  }
0x65: {  	[sflag:s24] =	ssyncset.done $0x0  }
0x66: {  	[sflag:s24] =	ssyncadd.s32 $0xFFFFE000  }
0x67: {  	_ =	swait.ge [sflag:s31], $0x2000  }
0x68: {  	[sflag:s31] =	ssyncset.done $0x0  }
0x69: {  	s25 =	sadd.s32 $0x5000, s0;
	[sflag:s31] =	ssyncadd.s32 $0xFFFFE000  }
0x6a: {  	[spmem:s3] =	stream.indirect.scatter.add.f32 [tilespmem:s29], [sflag:$0x3], $0x40, s25, s28, $0xb8;
	[tilespmem:$0x18000] =	vst v63  }
0x6b: {  	_ =	swait.ge [sflag:s24], $0x2000  }
0x6c: {  	[sflag:s24] =	ssyncset.done $0x0  }
0x6d: {  	[sflag:s24] =	ssyncadd.s32 $0xFFFFE000  }
0x6e: {  	[bflag:$0x0] =	sbarrier.arrive $0xFFFF  }
0x6f: {  	[tilespmem:s26], [sflag:$0x3] =	stream.linear.gather [spmem:s9], $0x2000, $0x38;
	[tilespmem:$0x18000] =	vst v63  }
0x70: {  	_ =	swait.ge [sflag:s24], $0x2000  }
0x71: {  	[sflag:s24] =	ssyncset.done $0x0  }
0x72: {  	[sflag:s24] =	ssyncadd.s32 $0xFFFFE000  }
0x73: {  	[hbm4b:s15+s4] =	stream.linear.scatter [tilespmem:s26], [sflag:$0x3], $0x2000, $0x38;
	[tilespmem:$0x18000] =	vst v63  }
0x74: {  	_ =	swait.ge [sflag:s24], $0x2000  }
0x75: {  	[sflag:s24] =	ssyncset.done $0x0  }
0x76: {  	[sflag:s24] =	ssyncadd.s32 $0xFFFFE000  }
0x77: {  	[tilespmem:s26], [sflag:$0x3] =	stream.linear.gather [spmem:s16], $0x2000, $0x38;
	[tilespmem:$0x18000] =	vst v63  }
0x78: {  	_ =	swait.ge [sflag:s24], $0x2000  }
0x79: {  	[sflag:s24] =	ssyncset.done $0x0  }
0x7a: {  	[sflag:s24] =	ssyncadd.s32 $0xFFFFE000  }
0x7b: {  	[hbm4b:s17+s4] =	stream.linear.scatter [tilespmem:s26], [sflag:$0x3], $0x2000, $0x38;
	[tilespmem:$0x18000] =	vst v63  }
0x7c: {  	_ =	swait.ge [sflag:s24], $0x2000  }
0x7d: {  	[sflag:s24] =	ssyncset.done $0x0  }
0x7e: {  	[sflag:s24] =	ssyncadd.s32 $0xFFFFE000  }
0x7f: {  	[tilespmem:s26], [sflag:$0x3] =	stream.linear.gather [spmem:s18], $0x2000, $0x38;
	[tilespmem:$0x18000] =	vst v63  }
0x80: {  	_ =	swait.ge [sflag:s24], $0x2000  }
0x81: {  	[sflag:s24] =	ssyncset.done $0x0  }
0x82: {  	[sflag:s24] =	ssyncadd.s32 $0xFFFFE000  }
0x83: {  	[hbm4b:s19+s4] =	stream.linear.scatter [tilespmem:s26], [sflag:$0x3], $0x2000, $0x38;
	[tilespmem:$0x18000] =	vst v63  }
0x84: {  	_ =	swait.ge [sflag:s24], $0x2000  }
0x85: {  	[sflag:s24] =	ssyncset.done $0x0  }
0x86: {  	[sflag:s24] =	ssyncadd.s32 $0xFFFFE000  }
0x87: {  	[tilespmem:s26], [sflag:$0x3] =	stream.linear.gather [spmem:s20], $0x2000, $0x38;
	[tilespmem:$0x18000] =	vst v63  }
0x88: {  	_ =	swait.ge [sflag:s24], $0x2000  }
0x89: {  	[sflag:s24] =	ssyncset.done $0x0  }
0x8a: {  	[sflag:s24] =	ssyncadd.s32 $0xFFFFE000  }
0x8b: {  	[hbm4b:s21+s4] =	stream.linear.scatter [tilespmem:s26], [sflag:$0x3], $0x2000, $0x38;
	[tilespmem:$0x18000] =	vst v63  }
0x8c: {  	_ =	swait.ge [sflag:s24], $0x2000  }
0x8d: {  	[sflag:s24] =	ssyncset.done $0x0  }
0x8e: {  	[sflag:s24] =	ssyncadd.s32 $0xFFFFE000  }
0x8f: {  	[tilespmem:s26], [sflag:$0x3] =	stream.linear.gather [spmem:s22], $0x2000, $0x38;
	[tilespmem:$0x18000] =	vst v63  }
0x90: {  	s1 =	sadd.s32 $0x1, s1;
	_ =	swait.ge [sflag:s24], $0x2000  }
0x91: {  	p0 =	sne.s32 s1, s10;
	[sflag:s24] =	ssyncset.done $0x0  }
.Ltmp1:
0x92: {  	[sflag:s24] =	ssyncadd.s32 $0xFFFFE000;
	(pc) =	sbr.rel @p0 .LBB2_1-.Ltmp1, $4  }
0x93: {  	[hbm4b:s23+s4] =	stream.linear.scatter [tilespmem:s26], [sflag:$0x3], $0x2000, $0x38;
	[tilespmem:$0x18000] =	vst v63  }
0x94: {  	_ =	swait.ge [sflag:s24], $0x2000  }
0x95: {  	[sflag:s24] =	ssyncset.done $0x0  }
0x96: {  	[sflag:s24] =	ssyncadd.s32 $0xFFFFE000  }
0x97: {  	_ =	sfence.sel $0x180000  }
0x98: {  	[bflag:$0x0] =	sbarrier.arrive $0xFFFF  }
0x99: {  	_ =	strace $0x9000004D  }
0x9a: {  	s0 =	stileid.u32;
	[bflag:$0x2] =	sbarrier.arrive $0xFFFF  }
0x9b: {  	p0 =	sne.s32 s0, $0x0;
	s0 =	rddreg [dreg:$0x3]  }
0x9c: {  	s0 =	sadd.s32 @!p0 $0x100000, s0  }
0x9d: {  	[sflag:s0] =	ssyncadd.tile.s32 @!p0 $0x1;
	_ =	shalt  }
.Lfunc_end2:
_tile_overlayer_lowered:
.L_overlay_start_2:
0x9e: {  	(tag) =	ssettag $0x2  }
0x9f: {  	s0 =	rddreg [dreg:$0x0];
	s2 =	stileid.u32  }
0xa0: {  	s1 =	rddreg [dreg:$0x1];
	p0 =	sne.s32 s2, $0x0  }
0xa1: {  	s3 =	rddreg [dreg:$0x2];
	[bflag:$0x3] =	sbarrier.arrive $0xFFFF;
	s2 =	simm.s32 @!p0 $0x1C03  }
0xa2: {  	[timem:s3], [sflag:s2] =	dma.local @!p0 [hbm:s0], s1  }
0xa3: {  	s0 =	simm.s32 @!p0 $0x3  }
0xa4: {  	_ =	swait.ge @!p0 [sflag:s0], s1  }
0xa5: {  	s1 =	ssub.s32 @!p0 $0x0, s1;
	[sflag:s0] =	ssyncset.done @!p0 $0x0  }
0xa6: {  	[sflag:s0] =	ssyncadd.s32 @!p0 s1  }
0xa7: {  	[bflag:$0x3] =	sbarrier.arrive $0xFFFF  }
0xa8: {  	_ =	shalt  }

// kernel: kernel.8.cloned.1.call-start
scs
__scs_entry_jumppad:
0x0: {  	(pc) =	sbr.rel $0x88, $3  }
0x1: {  	(tag) =	ssettag $0x0;
	lr =	simm.s32 $0x1  }
0x2: {  	[smem:$0x3F99] =	sst lr;
	_ =	strace $0xD0000000  }
0x3: {  	_ = 	snop  }
0x4: {  	_ = 	snop  }
0x5: {  	_ = 	snop  }
0x6: {  	_ = 	snop  }
0x7: {  	_ = 	snop  }
__scs_overlays_trampoline_lowered:
0x8: {  	[smem:$0x3FA8] =	sst s0  }
0x9: {  	[smem:$0x3FA9] =	sst s1  }
0xa: {  	[smem:$0x3FAA] =	sst s2  }
0xb: {  	[smem:$0x3FAB] =	sst s3  }
0xc: {  	[smem:$0x3FAC] =	sst s4  }
0xd: {  	[smem:$0x3FAD] =	sst s5  }
0xe: {  	[smem:$0x3FAE] =	sst s6  }
0xf: {  	[smem:$0x3FAF] =	sst s7  }
0x10: {  	[smem:$0x3FB0] =	sst s8  }
0x11: {  	[smem:$0x3FB1] =	sst s9;
	s0 =	simm.s32 @!p0 $0x0  }
0x12: {  	s1 =	sld [smem:$0x3F97];
	s0 =	simm.s32 @p0 $0x1  }
0x13: {  	[smem:$0x3FB2] =	sst s0;
	s0 =	simm.s32 @!p1 $0x0  }
0x14: {  	s2 =	sld [smem:$0x3F96];
	s0 =	simm.s32 @p1 $0x1  }
0x15: {  	[smem:$0x3FB3] =	sst s0;
	s0 =	simm.s32 @!p2 $0x0  }
0x16: {  	s3 =	sld [smem:$0x3FDB];
	s0 =	simm.s32 @p2 $0x1  }
0x17: {  	s4 =	simm.s32 $0x1BF5;
	[smem:$0x3FB5] =	sst s0  }
0x18: {  	s0 =	sld [smem:$0x3F98];
	_ =	swait.ge [sflag:s4], $0x0  }
0x19: {  	s7 =	sld [smem:$0x3F99]  }
0x1a: {  	s8 =	sadd.s32 $0xFFFFE003, lr  }
0x1b: {  	s9 =	sadd.s32 $0xFFFFFEF7, lr;
	s5 =	simm.s32 $0xFFFFFFFF;
	p2 =	slt.u32 s8, $0xFFFFF086  }
0x1c: {  	p1 =	slt.u32 s9, $0xF7A;
	s5 =	simm.s32 @!p2 $0x0  }
0x1d: {  	s5 =	simm.s32 @p1 $0x1;
	p0 =	seq.s32 s7, s2  }
0x1e: {  	s7 =	smul.u32 @!p0 $0xF7A, s2;
	p2 =	seq.s32 @!p0 s5, $0x0  }
0x1f: {  	s9 =	smul.u32 $0xF7A, s1;
	s8 =	simm.s32 @!p0 $0x1BF5;
	p2 =	por !p2, p0  }
0x20: {  	[sflag:s8] =	ssyncset.s32 @!p0 $0xFFFFF086;
	s6 =	sadd.s32 @!p0 s3, s7;
	s7 =	simm.s32 @!p0 $0x108  }
0x21: {  	s3 =	sadd.s32 s3, s9;
	s6 =	sadd.s32 @!p0 $0x88, s6;
	s7 =	simm.s32 @p2 $0x1082  }
0x22: {  	[simem:s7], [sflag:s8] =	dma.local @!p0 [hbm:s6], $0xF7A  }
0x23: {  	s9 =	sor.u32 $0xD0000000, s2;
	s6 =	simm.s32 $0x108;
	_ =	swait.ge @!p0 [sflag:s8], $0x0  }
0x24: {  	s3 =	sadd.s32 $0x88, s3;
	s6 =	simm.s32 @!p1 $0x1082;
	[sflag:s4] =	ssyncset.s32 $0xFFFFF086  }
0x25: {  	[simem:s6], [sflag:s4] =	dma.local [hbm:s3], $0xF7A  }
0x26: {  	[smem:$0x3F99] =	sst s1;
	(tag) =	ssettag s2;
	_ =	strace s9  }
0x27: {  	s1 =	sld [smem:$0x3FA9]  }
0x28: {  	s2 =	sld [smem:$0x3FAA]  }
0x29: {  	s4 =	sld [smem:$0x3FAC]  }
0x2a: {  	p0 =	seq.s32 s5, $0x0;
	s5 =	sld [smem:$0x3FAD]  }
0x2b: {  	s6 =	sld [smem:$0x3FAE]  }
0x2c: {  	s7 =	sld [smem:$0x3FAF]  }
0x2d: {  	s3 =	simm.s32 $0x108;
	s8 =	sld [smem:$0x3FB0]  }
0x2e: {  	s3 =	simm.s32 @!p0 $0x1082;
	s9 =	sld [smem:$0x3FB1]  }
0x2f: {  	lr =	sadd.s32 s0, s3;
	s0 =	sld [smem:$0x3FA8]  }
0x30: {  	s3 =	sld [smem:$0x3FAB]  }
0x31: {  	[smem:$0x3FB4] =	sst s10  }
0x32: {  	s10 =	sld [smem:$0x3FB2];
	_ =	sdelay $0x3  }
0x33: {  	p0 =	seq.s32 s10, $0x1;
	s10 =	sld [smem:$0x3FB4];
	_ =	sdelay $0x3  }
0x34: {  	[smem:$0x3FB4] =	sst s10  }
0x35: {  	s10 =	sld [smem:$0x3FB3];
	_ =	sdelay $0x3  }
0x36: {  	p1 =	seq.s32 s10, $0x1;
	s10 =	sld [smem:$0x3FB4];
	_ =	sdelay $0x3  }
0x37: {  	[smem:$0x3FB4] =	sst s10  }
0x38: {  	s10 =	sld [smem:$0x3FB5]  }
0x39: {  	_ = 	snop;
	(pc) =	sbr.ind lr, $3  }
0x3a: {  	_ = 	snop  }
0x3b: {  	_ = 	snop  }
0x3c: {  	p2 =	seq.s32 s10, $0x1;
	s10 =	sld [smem:$0x3FB4]  }
0x3d: {  	_ =	shalt  }
0x3e: {  	_ =	shalt  }
0x3f: {  	_ =	shalt  }
0x40: {  	_ =	shalt  }
0x41: {  	_ =	shalt  }
0x42: {  	_ =	shalt  }
0x43: {  	_ =	shalt  }
0x44: {  	_ =	shalt  }
0x45: {  	_ =	shalt  }
0x46: {  	_ =	shalt  }
0x47: {  	_ =	shalt  }
0x48: {  	_ =	shalt  }
0x49: {  	_ =	shalt  }
0x4a: {  	_ =	shalt  }
0x4b: {  	_ =	shalt  }
0x4c: {  	_ =	shalt  }
0x4d: {  	_ =	shalt  }
0x4e: {  	_ =	shalt  }
0x4f: {  	_ =	shalt  }
0x50: {  	_ =	shalt  }
0x51: {  	_ =	shalt  }
0x52: {  	_ =	shalt  }
0x53: {  	_ =	shalt  }
0x54: {  	_ =	shalt  }
0x55: {  	_ =	shalt  }
0x56: {  	_ =	shalt  }
0x57: {  	_ =	shalt  }
0x58: {  	_ =	shalt  }
0x59: {  	_ =	shalt  }
0x5a: {  	_ =	shalt  }
0x5b: {  	_ =	shalt  }
0x5c: {  	_ =	shalt  }
0x5d: {  	_ =	shalt  }
0x5e: {  	_ =	shalt  }
0x5f: {  	_ =	shalt  }
0x60: {  	_ =	shalt  }
0x61: {  	_ =	shalt  }
0x62: {  	_ =	shalt  }
0x63: {  	_ =	shalt  }
0x64: {  	_ =	shalt  }
0x65: {  	_ =	shalt  }
0x66: {  	_ =	shalt  }
0x67: {  	_ =	shalt  }
0x68: {  	_ =	shalt  }
0x69: {  	_ =	shalt  }
0x6a: {  	_ =	shalt  }
0x6b: {  	_ =	shalt  }
0x6c: {  	_ =	shalt  }
0x6d: {  	_ =	shalt  }
0x6e: {  	_ =	shalt  }
0x6f: {  	_ =	shalt  }
0x70: {  	_ =	shalt  }
0x71: {  	_ =	shalt  }
0x72: {  	_ =	shalt  }
0x73: {  	_ =	shalt  }
0x74: {  	_ =	shalt  }
0x75: {  	_ =	shalt  }
0x76: {  	_ =	shalt  }
0x77: {  	_ =	shalt  }
0x78: {  	_ =	shalt  }
0x79: {  	_ =	shalt  }
0x7a: {  	_ =	shalt  }
0x7b: {  	_ =	shalt  }
0x7c: {  	_ =	shalt  }
0x7d: {  	_ =	shalt  }
0x7e: {  	_ =	shalt  }
0x7f: {  	_ =	shalt  }
0x80: {  	_ =	shalt  }
0x81: {  	_ =	shalt  }
0x82: {  	_ =	shalt  }
0x83: {  	_ =	shalt  }
0x84: {  	_ =	shalt  }
0x85: {  	_ =	shalt  }
0x86: {  	_ =	shalt  }
0x87: {  	_ =	shalt  }
.Lfunc_end0:
.L_simem_size_0:
called_computation_lowered:
.L_overlay_start_0:
0x88: {  	s2 =	sld [smem:$0x3FD9]  }
0x89: {  	s3 =	sld [smem:$0x3FFE];
	_ =	sdelay $0x1  }
0x8a: {  	s1 =	srdreg.scid  }
0x8b: {  	s0 =	sand.u32 $0x1, s1  }
0x8c: {  	s17 =	sshll.u32 s0, $0xA;
	s2 =	sadd.s32 s3, s2  }
0x8d: {  	s2 =	sadd.s32 s2, s17  }
0x8e: {  	[smem:$0x3FC0] =	sst s2  }
0x8f: {  	_ = 	snop  }
0x90: {  	s2 =	sld [smem:$0x3FD0];
	(tm) =	ssettm $0x1  }
0x91: {  	s18 =	sld [smem:$0x3FFB];
	_ =	sdelay $0x3  }
0x92: {  	_ =	strace s18  }
0x93: {  	s3 =	sld [smem:$0x3FFC];
	_ =	sdelay $0x3  }
0x94: {  	_ =	strace s3  }
0x95: {  	s3 =	sld [smem:$0x3FFD];
	_ =	sdelay $0x3  }
0x96: {  	_ =	strace s3  }
0x97: {  	_ =	strace $0x8FFFFFFF  }
0x98: {  	s19 =	sld [smem:$0x3FDB];
	_ =	sdelay $0x1  }
0x99: {  	s4 =	simm.s32 $_scs_section_size  }
0x9a: {  	s5 =	simm.s32 $_size__tile_overlayer_lowered;
	s6 =	simm.s32 $_tile_overlayer_lowered  }
0x9b: {  	s22 =	simm.s32 $0x1BFF;
	s21 =	sshll.u32 s6, $0x1;
	s3 =	sadd.s32 s4, s19  }
0x9c: {  	s7 =	simm.s32 $0x0;
	s20 =	sshll.u32 s5, $0x1;
	s5 =	sadd.s32 s21, s3  }
0x9d: {  	[timem:s7], [sflag:s22] =	dma.local [hbm:s5], s20  }
0x9e: {  	_ =	swait.ge [sflag:s22], s20  }
0x9f: {  	s4 =	ssub.s32 $0x0, s20;
	[sflag:s22] =	ssyncset.done $0x0  }
0xa0: {  	[sflag:s22] =	ssyncadd.s32 s4;
	_ =	sdelay $0x1  }
0xa1: {  	s23 =	simm.s32 $0x1B8B  }
0xa2: {  	_ =	swait.ge [sflag:s23], $0x1  }
0xa3: {  	[sflag:s23] =	ssyncset.done $0x0  }
0xa4: {  	s25 =	simm.s32 $0x1B8E;
	s24 =	sld [smem:$0x3FFE];
	[sflag:s23] =	ssyncadd.s32 $0xFFFFFFFF  }
0xa5: {  	s26 =	simm.s32 $execute0_lowered;
	[smem:$0x3FD2] =	sst s25  }
0xa6: {  	s5 =	sshll.u32 s26, $0x1;
	_ =	strace $0x80000046;
	[dreg:$0x1] =	wrdreg $0xFFFFFFFF  }
0xa7: {  	s28 =	simm.s32 $_size_execute0_lowered;
	s3 =	sadd.s32 s3, s5;
	[dreg:$0x0] =	wrdreg $0x0  }
0xa8: {  	s5 =	sshll.u32 s28, $0x1;
	[dreg:$0x2] =	wrdreg s3  }
0xa9: {  	[dreg:$0x3] =	wrdreg s5  }
0xaa: {  	[dreg:$0x4] =	wrdreg $0xC0  }
0xab: {  	_ =	task [dreg:s7], $0x5FFFF  }
0xac: {  	[dreg:$0x1] =	wrdreg $0xFFFFFFFF  }
0xad: {  	[dreg:$0x0] =	wrdreg $0x60  }
0xae: {  	[dreg:$0x2] =	wrdreg s24  }
0xaf: {  	[dreg:$0x3] =	wrdreg s2  }
0xb0: {  	[dreg:$0x4] =	wrdreg $0x2B000  }
0xb1: {  	[dreg:$0x5] =	wrdreg $0x9  }
0xb2: {  	_ =	task.clear_ibuf [dreg:s7], $0x6FFFF;
	_ =	strace $0x90000046  }
0xb3: {  	s29 =	simm.s32 $0x9;
	_ =	strace $0x80000048  }
0xb4: {  	_ =	swait.ge [sflag:s29], $0x1  }
0xb5: {  	[sflag:s29] =	ssyncadd.s32 $0xFFFFFFFF  }
0xb6: {  	_ =	strace $0x90000048  }
0xb7: {  	_ =	sfence  }
0xb8: {  	s30 =	sld [smem:$0x0];
	_ =	sdelay $0x2  }
0xb9: {  	s31 =	sshll.u32 s1, $0xD;
	s1 =	sshrl.u32 s1, $0x2  }
0xba: {  	s3 =	sand.u32 $0x4000, s31;
	s1 =	sadd.s32 s1, s30  }
0xbb: {  	s0 =	sor.u32 s3, s0;
	s1 =	sshll.u32 s1, $0x11  }
0xbc: {  	s0 =	sor.u32 s1, s0  }
0xbd: {  	s0 =	sadd.s32 $0x8F2B, s0  }
0xbe: {  	[sflag:s0] =	ssyncadd.remote.s32 $0x1  }
0xbf: {  	_ =	sfence.sel $0xFFFF  }
0xc0: {  	[dreg:$0x0] =	wrdreg $0xFFFFFFFF;
	(pc) =	sbr.abs _section_cstart, $3  }
0xc1: {  	[dreg:$0x1] =	wrdreg $0xFFFFFFFF  }
0xc2: {  	_ =	task.clear_ibuf [dreg:s7], $0x2FFFF;
	_ =	strace $0x9FFFFFFF  }
0xc3: {  	(tm) =	ssettm $0x7FFFFFFF  }
tec
execute0_lowered:
.L_overlay_start_1:
0x0: {  	(tag) =	ssettag $0x1  }
0x1: {  	s4 =	rddreg [dreg:$0x0]  }
0x2: {  	s0 =	srdreg.scid;
	s6 =	rddreg [dreg:$0x1]  }
0x3: {  	s2 =	rddreg [dreg:$0x2];
	s1 =	stileid.u32;
	s3 =	simm.s32 $0x0  }
0x4: {  	s12 =	simm.s32 $0x100;
	s5 =	sand.u32 $0x1, s0;
	s0 =	rddreg [dreg:$0x3]  }
0x5: {  	s13 =	simm.s32 $0x0;
	[smem:$0x7FF] =	sst s3;
	s9 =	smul.u32 $0x500, s1  }
0x6: {  	s11 =	smul.u32 $0xA00, s1;
	s7 =	sshll.u32 s5, $0x4;
	_ =	strace $0x80000047  }
0x7: {  	s8 =	ssub.s32 $0x2, s5;
	s5 =	sshll.u32 s5, $0x7;
	s7 =	sor.u32 s1, s7  }
0x8: {  	s10 =	sshrl.u32 s8, $0x1;
	s5 =	sor.u32 s5, s9;
	s31 =	sshrl.u32 s11, $0x2  }
0x9: {  	s11 =	simm.s32 $0x2800;
	s7 =	smul.u32 $0x500, s7;
	s30 =	ssub.s32 s8, s10  }
0xa: {  	s9 =	sshrl.u32 s5, $0x3;
	s5 =	sadd.s32 s31, s2;
	s8 =	simm.s32 $0x1  }
0xb: {  	s10 =	simm.s32 $0x80;
	s6 =	sadd.s32 s6, s9;
	s4 =	sadd.s32 s7, s4  }
0xc: {  	v0 =	vimm.f32 $1.000000000e+00;
	v1 =	vimm.f32 $0.0e+00;
	s9 =	simm.s32 $0x2880;
	s7 =	smax.u32 s30, $0x1;
	s4 =	sadd.s32 $0x3200, s4  }
.LBB2_1:
0xd: {  	[tilespmem:s3], [sflag:$0x1] =	stream.linear.gather [hbm4b:s4+s3], $0x2800, $0x38;
	[tilespmem:$0x2D80] =	vst v63  }
0xe: {  	_ =	swait.ge [sflag:s8], $0x2800  }
0xf: {  	[sflag:s8] =	ssyncset.done $0x0  }
0x10: {  	[sflag:s8] =	ssyncadd.s32 $0xFFFFD800  }
0x11: {  	[tilespmem:$0x2800] =	vst v0  }
0x12: {  	[tilespmem:$0x2810] =	vst v0  }
0x13: {  	[tilespmem:$0x2820] =	vst v0  }
0x14: {  	[tilespmem:$0x2830] =	vst v0  }
0x15: {  	[tilespmem:$0x2840] =	vst v0  }
0x16: {  	[tilespmem:$0x2850] =	vst v0  }
0x17: {  	[tilespmem:$0x2860] =	vst v0  }
0x18: {  	[tilespmem:$0x2870] =	vst v0  }
0x19: {  	[tilespmem:$0x2880] =	vst v1  }
0x1a: {  	[tilespmem:$0x2890] =	vst v1  }
0x1b: {  	[tilespmem:$0x28A0] =	vst v1  }
0x1c: {  	[tilespmem:$0x28B0] =	vst v1  }
0x1d: {  	[tilespmem:$0x28C0] =	vst v1  }
0x1e: {  	[tilespmem:$0x28D0] =	vst v1  }
0x1f: {  	[tilespmem:$0x28E0] =	vst v1  }
0x20: {  	[tilespmem:$0x28F0] =	vst v1  }
0x21: {  	[tilespmem:$0x2900] =	vst v1  }
0x22: {  	[tilespmem:$0x2910] =	vst v1  }
0x23: {  	[tilespmem:$0x2920] =	vst v1  }
0x24: {  	[tilespmem:$0x2930] =	vst v1  }
0x25: {  	[tilespmem:$0x2940] =	vst v1  }
0x26: {  	[tilespmem:$0x2950] =	vst v1  }
0x27: {  	[tilespmem:$0x2960] =	vst v1  }
0x28: {  	[tilespmem:$0x2970] =	vst v1  }
0x29: {  	[tilespmem:$0x2980] =	vst v1  }
0x2a: {  	[tilespmem:$0x2990] =	vst v1  }
0x2b: {  	[tilespmem:$0x29A0] =	vst v1  }
0x2c: {  	[tilespmem:$0x29B0] =	vst v1  }
0x2d: {  	[tilespmem:$0x29C0] =	vst v1  }
0x2e: {  	[tilespmem:$0x29D0] =	vst v1  }
0x2f: {  	[tilespmem:$0x29E0] =	vst v1  }
0x30: {  	[tilespmem:$0x29F0] =	vst v1  }
0x31: {  	[tilespmem:$0x2A00] =	vst v1  }
0x32: {  	[tilespmem:$0x2A10] =	vst v1  }
0x33: {  	[tilespmem:$0x2A20] =	vst v1  }
0x34: {  	[tilespmem:$0x2A30] =	vst v1  }
0x35: {  	[tilespmem:$0x2A40] =	vst v1  }
0x36: {  	[tilespmem:$0x2A50] =	vst v1  }
0x37: {  	[tilespmem:$0x2A60] =	vst v1  }
0x38: {  	[tilespmem:$0x2A70] =	vst v1  }
0x39: {  	[tilespmem:$0x2A80] =	vst v1  }
0x3a: {  	[tilespmem:$0x2A90] =	vst v1  }
0x3b: {  	[tilespmem:$0x2AA0] =	vst v1  }
0x3c: {  	[tilespmem:$0x2AB0] =	vst v1  }
0x3d: {  	[tilespmem:$0x2AC0] =	vst v1  }
0x3e: {  	[tilespmem:$0x2AD0] =	vst v1  }
0x3f: {  	[tilespmem:$0x2AE0] =	vst v1  }
0x40: {  	[tilespmem:$0x2AF0] =	vst v1  }
0x41: {  	[spmem:s5] =	stream.linear.scatter [tilespmem:s9], [sflag:$0x1], $0x280, $0x38;
	[tilespmem:$0x2D80] =	vst v63  }
0x42: {  	_ =	swait.ge [sflag:s8], $0x280  }
0x43: {  	[sflag:s8] =	ssyncset.done $0x0  }
0x44: {  	[sflag:s8] =	ssyncadd.s32 $0xFFFFFD80  }
0x45: {  	s14 =	simm.s32 $0x0;
	[bflag:$0x0] =	sbarrier.arrive $0xFFFF  }
0x46: {  	[spmem:s2] =	stream.indirect.scatter.add.f32 [tilespmem:s11], [sflag:$0x1], $0x1, s14, s10, $0xb8;
	[tilespmem:$0x2D80] =	vst v63  }
0x47: {  	_ =	swait.ge [sflag:s8], $0x80  }
0x48: {  	s14 =	simm.s32 $0x200;
	[sflag:s8] =	ssyncset.done $0x0  }
.LBB2_2:
0x49: {  	s15 =	sshra.s32 s14, $0x2;
	[sflag:s8] =	ssyncadd.s32 $0xFFFFFF80;
	p0 =	sne.s32 s14, $0x9E00  }
0x4a: {  	[spmem:s2] =	stream.indirect.scatter.add.f32 [tilespmem:s11], [sflag:$0x1], $0x1, s15, s10, $0xb8;
	[tilespmem:$0x2D80] =	vst v63  }
.Ltmp0:
0x4b: {  	_ = 	snop;
	(pc) =	sbr.rel @p0 .LBB2_2-.Ltmp0, $4  }
0x4c: {  	_ = 	snop  }
0x4d: {  	s14 =	sadd.s32 $0x200, s14  }
0x4e: {  	_ =	swait.ge [sflag:s8], $0x80  }
0x4f: {  	[sflag:s8] =	ssyncset.done $0x0  }
0x50: {  	[sflag:s8] =	ssyncadd.s32 $0xFFFFFF80  }
0x51: {  	[bflag:$0x0] =	sbarrier.arrive $0xFFFF  }
0x52: {  	[tilespmem:s9], [sflag:$0x1] =	stream.linear.gather [spmem:s5], $0x280, $0x38;
	[tilespmem:$0x2D80] =	vst v63  }
0x53: {  	s13 =	sadd.s32 $0x1, s13;
	_ =	swait.ge [sflag:s8], $0x280  }
0x54: {  	p0 =	sne.s32 s13, s7;
	[sflag:s8] =	ssyncset.done $0x0  }
.Ltmp1:
0x55: {  	[sflag:s8] =	ssyncadd.s32 $0xFFFFFD80;
	(pc) =	sbr.rel @p0 .LBB2_1-.Ltmp1, $4  }
0x56: {  	[hbm4b:s6+s10] =	stream.strided.scatter [tilespmem:s9], [sflag:$0x1], $0x280, s12, s10, $0x38;
	[tilespmem:$0x2D80] =	vst v63  }
0x57: {  	_ =	swait.ge [sflag:s8], $0x280  }
0x58: {  	[sflag:s8] =	ssyncset.done $0x0  }
0x59: {  	[sflag:s8] =	ssyncadd.s32 $0xFFFFFD80  }
0x5a: {  	_ =	sfence.sel $0x180000  }
0x5b: {  	[bflag:$0x0] =	sbarrier.arrive $0xFFFF  }
0x5c: {  	p0 =	sne.s32 s1, $0x0;
	_ =	strace $0x90000047  }
0x5d: {  	s0 =	sadd.s32 @!p0 $0x100000, s0;
	[bflag:$0x2] =	sbarrier.arrive $0xFFFF  }
0x5e: {  	[sflag:s0] =	ssyncadd.tile.s32 @!p0 $0x1;
	_ =	shalt  }
.Lfunc_end2:
_tile_overlayer_lowered:
.L_overlay_start_2:
0x5f: {  	(tag) =	ssettag $0x2  }
0x60: {  	s0 =	rddreg [dreg:$0x0];
	s2 =	stileid.u32  }
0x61: {  	s1 =	rddreg [dreg:$0x1];
	p0 =	sne.s32 s2, $0x0  }
0x62: {  	s3 =	rddreg [dreg:$0x2];
	[bflag:$0x3] =	sbarrier.arrive $0xFFFF;
	s2 =	simm.s32 @!p0 $0x1C01  }
0x63: {  	[timem:s3], [sflag:s2] =	dma.local @!p0 [hbm:s0], s1  }
0x64: {  	s0 =	simm.s32 @!p0 $0x1  }
0x65: {  	_ =	swait.ge @!p0 [sflag:s0], s1  }
0x66: {  	s1 =	ssub.s32 @!p0 $0x0, s1;
	[sflag:s0] =	ssyncset.done @!p0 $0x0  }
0x67: {  	[sflag:s0] =	ssyncadd.s32 @!p0 s1  }
0x68: {  	[bflag:$0x3] =	sbarrier.arrive $0xFFFF  }
0x69: {  	_ =	shalt  }

</sc_bundles>
